<compile_context>
chip_gen: v7x
topology: tpu7x:2x2x1
jax: 0.10.2.dev20260603
libtpu: 0.0.44.dev20260713+nightly
codegen_flags: <defaults>
</compile_context>

<pallas_src>
import functools

import jax
import jax.numpy as jnp
from jax import lax
from jax.experimental import pallas as pl
from jax.experimental.pallas import tpu as pltpu
from jax.experimental.pallas import tpu_sc as plsc

_CHUNK = 16
_NBUF = 3


def _make_sc(batch, seq_len, d_model):
    info = plsc.get_sparse_core_info()
    nw = info.num_cores * info.num_subcores
    rows = seq_len // nw
    chunks = rows // _CHUNK
    mesh = plsc.VectorSubcoreMesh(core_axis_name="c", subcore_axis_name="s")

    scratch = [pltpu.VMEM((_CHUNK, d_model), jnp.float32)] * _NBUF
    scratch += [pltpu.SemaphoreType.DMA] * (2 * _NBUF)

    @functools.partial(
        pl.kernel,
        mesh=mesh,
        out_type=jax.ShapeDtypeStruct((batch, seq_len, d_model), jnp.float32),
        scratch_types=scratch,
    )
    def k(pe_hbm, out_hbm, *refs):
        bufs = refs[:_NBUF]
        isems = refs[_NBUF:2 * _NBUF]
        osems = refs[2 * _NBUF:]
        wid = lax.axis_index("s") * info.num_cores + lax.axis_index("c")
        base = wid * rows
        in_cp = [None] * chunks
        out_cp = [None] * chunks

        def start_in(g):
            in_cp[g] = pltpu.async_copy(
                pe_hbm.at[pl.ds(base + g * _CHUNK, _CHUNK)],
                bufs[g % _NBUF],
                isems[g % _NBUF],
            )

        def start_out(g):
            out_cp[g] = [
                pltpu.async_copy(
                    bufs[g % _NBUF],
                    out_hbm.at[b, pl.ds(base + g * _CHUNK, _CHUNK)],
                    osems[g % _NBUF],
                )
                for b in range(batch)
            ]

        for g in range(min(_NBUF, chunks)):
            start_in(g)
        for g in range(chunks):
            in_cp[g].wait()
            if g >= _NBUF - 1:
                nxt = g + 1
                if nxt - _NBUF >= 0 and out_cp[nxt - _NBUF] is not None:
                    for c in out_cp[nxt - _NBUF]:
                        c.wait()
                    out_cp[nxt - _NBUF] = None
                if nxt < chunks:
                    start_in(nxt)
            start_out(g)
        for cs in out_cp:
            if cs is not None:
                for c in cs:
                    c.wait()

    return k


def kernel(x, pe):
    batch, seq_len = x.shape
    d_model = pe.shape[1]
    return _make_sc(batch, seq_len, d_model)(pe)

# --- scband reference (transcript-rebuilt; emitter-appended) ---
"""Pipeline reference for scband-position-embedding-17884243821100 (READ-ONLY COPY).

The authoritative reference and input builder live on the scoring server;
editing this copy changes nothing except your own understanding.
"""

import jax, jax.numpy as jnp
import numpy as np

MAX_LEN = 8192
D_MODEL = 2048
BATCH = 4
SEQ_LEN = 4096

def setup_inputs(seed: int = 0) -> dict:
    key = jax.random.key(seed)
    k1, k2 = jax.random.split(key)
    # x: only its shape (batch, seq_len) is used by the module
    x = jax.random.randint(k1, (BATCH, SEQ_LEN), 0, 32000, dtype=jnp.int32)
    # learned position embedding table, per nn.Embedding(max_len, d_model)
    pe = jax.random.normal(k2, (MAX_LEN, D_MODEL), dtype=jnp.float32) * 0.02
    return {"x": x, "pe": pe}

def reference(x, pe):
    batch_size = x.shape[0]
    seq_len = x.shape[1]
    pos = jnp.arange(seq_len, dtype=jnp.int32)
    pos = jnp.broadcast_to(pos[None, :], (batch_size, seq_len))
    # embedding lookup: gather rows of pe
    return jnp.take(pe, pos, axis=0)

if __name__ == "__main__":
    import jax
    _d = setup_inputs()
    print(jax.jit(kernel)(*tuple(_d.values())))

</pallas_src>

<mosaic_0001>
#map = affine_map<(d0, d1) -> (0, 0)>
#map1 = affine_map<(d0, d1) -> (0, 0, 0)>
module attributes {stable_mosaic.version = 14 : i64} {
  func.func @k(%arg0: i32, %arg1: i32, %arg2: memref<8192x2048xf32, #tpu.memory_space<hbm>>, %arg3: memref<4x4096x2048xf32, #tpu.memory_space<hbm>>, %arg4: memref<16x2048xf32, #tpu.memory_space<vmem>>, %arg5: memref<16x2048xf32, #tpu.memory_space<vmem>>, %arg6: memref<16x2048xf32, #tpu.memory_space<vmem>>, %arg7: memref<!tpu.dma_semaphore, #tpu.memory_space<semaphore_mem>>, %arg8: memref<!tpu.dma_semaphore, #tpu.memory_space<semaphore_mem>>, %arg9: memref<!tpu.dma_semaphore, #tpu.memory_space<semaphore_mem>>, %arg10: memref<!tpu.dma_semaphore, #tpu.memory_space<semaphore_mem>>, %arg11: memref<!tpu.dma_semaphore, #tpu.memory_space<semaphore_mem>>, %arg12: memref<!tpu.dma_semaphore, #tpu.memory_space<semaphore_mem>>) attributes {dimension_semantics = [#tpu.dimension_semantics<core_parallel>, #tpu.dimension_semantics<subcore_parallel>], iteration_bounds = array<i64: 2, 16>, scalar_prefetch = 0 : i64, scratch_operands = 9 : i64, tpu.core_type = #tpu.core_type<sc_vector_subcore>, window_params = [{transform_indices = #map}, {transform_indices = #map1}]} {
    %mul3A = arith.constant 2 : i32
    %mul3A_0 = arith.muli %arg1, %mul3A : i32
    %add3A = arith.addi %mul3A_0, %arg0 : i32
    %mul3A_1 = arith.constant 128 : i32
    %mul3A_2 = arith.muli %add3A, %mul3A_1 : i32
    %add3A_3 = arith.constant 0 : i32
    %add3A_4 = arith.addi %mul3A_2, %add3A_3 : i32
    %dma_start3A = arith.constant 0 : i32
    %dma_start3A_5 = tpu.memref_slice %arg2[%add3A_4, %dma_start3A] : memref<8192x2048xf32, #tpu.memory_space<hbm>> -> memref<16x2048xf32, #tpu.memory_space<hbm>>
    %dma_start3A_6 = arith.constant 0 : i32
    %dma_start3A_7 = tpu.memref_slice %arg2[%add3A_4, %dma_start3A_6] : memref<8192x2048xf32, #tpu.memory_space<hbm>> -> memref<16x2048xf32, #tpu.memory_space<hbm>>
    tpu.enqueue_dma source(%dma_start3A_7 : memref<16x2048xf32, #tpu.memory_space<hbm>>) target(%arg4 : memref<16x2048xf32, #tpu.memory_space<vmem>>) target_semaphore(%arg7 : memref<!tpu.dma_semaphore, #tpu.memory_space<semaphore_mem>>)
    %add3A_8 = arith.constant 16 : i32
    %add3A_9 = arith.addi %mul3A_2, %add3A_8 : i32
    %dma_start3A_10 = arith.constant 0 : i32
    %dma_start3A_11 = tpu.memref_slice %arg2[%add3A_9, %dma_start3A_10] : memref<8192x2048xf32, #tpu.memory_space<hbm>> -> memref<16x2048xf32, #tpu.memory_space<hbm>>
    %dma_start3A_12 = arith.constant 0 : i32
    %dma_start3A_13 = tpu.memref_slice %arg2[%add3A_9, %dma_start3A_12] : memref<8192x2048xf32, #tpu.memory_space<hbm>> -> memref<16x2048xf32, #tpu.memory_space<hbm>>
    tpu.enqueue_dma source(%dma_start3A_13 : memref<16x2048xf32, #tpu.memory_space<hbm>>) target(%arg5 : memref<16x2048xf32, #tpu.memory_space<vmem>>) target_semaphore(%arg8 : memref<!tpu.dma_semaphore, #tpu.memory_space<semaphore_mem>>)
    %add3A_14 = arith.constant 32 : i32
    %add3A_15 = arith.addi %mul3A_2, %add3A_14 : i32
    %dma_start3A_16 = arith.constant 0 : i32
    %dma_start3A_17 = tpu.memref_slice %arg2[%add3A_15, %dma_start3A_16] : memref<8192x2048xf32, #tpu.memory_space<hbm>> -> memref<16x2048xf32, #tpu.memory_space<hbm>>
    %dma_start3A_18 = arith.constant 0 : i32
    %dma_start3A_19 = tpu.memref_slice %arg2[%add3A_15, %dma_start3A_18] : memref<8192x2048xf32, #tpu.memory_space<hbm>> -> memref<16x2048xf32, #tpu.memory_space<hbm>>
    tpu.enqueue_dma source(%dma_start3A_19 : memref<16x2048xf32, #tpu.memory_space<hbm>>) target(%arg6 : memref<16x2048xf32, #tpu.memory_space<vmem>>) target_semaphore(%arg9 : memref<!tpu.dma_semaphore, #tpu.memory_space<semaphore_mem>>)
    %dma_wait3A = arith.constant 0 : i32
    %dma_wait3A_20 = tpu.memref_slice %arg2[%add3A_4, %dma_wait3A] : memref<8192x2048xf32, #tpu.memory_space<hbm>> -> memref<16x2048xf32, #tpu.memory_space<hbm>>
    %dma_wait3A_21 = arith.constant 0 : i32
    %dma_wait3A_22 = tpu.memref_slice %arg2[%add3A_4, %dma_wait3A_21] : memref<8192x2048xf32, #tpu.memory_space<hbm>> -> memref<16x2048xf32, #tpu.memory_space<hbm>>
    tpu.wait_dma2 semaphore(%arg7 : memref<!tpu.dma_semaphore, #tpu.memory_space<semaphore_mem>>) src(%dma_wait3A_22 : memref<16x2048xf32, #tpu.memory_space<hbm>>) dst(%arg4 : memref<16x2048xf32, #tpu.memory_space<vmem>>)
    %add3A_23 = arith.constant 0 : i32
    %add3A_24 = arith.addi %mul3A_2, %add3A_23 : i32
    %dma_start3A_25 = arith.constant 0 : i32
    %dma_start3A_26 = arith.constant 0 : i32
    %dma_start3A_27 = tpu.memref_slice %arg3[%dma_start3A_25, %add3A_24, %dma_start3A_26] : memref<4x4096x2048xf32, #tpu.memory_space<hbm>> -> memref<1x16x2048xf32, #tpu.memory_space<hbm>>
    %dma_start3A_28 = tpu.memref_squeeze %dma_start3A_27 : memref<1x16x2048xf32, #tpu.memory_space<hbm>> -> memref<16x2048xf32, #tpu.memory_space<hbm>>
    %dma_start3A_29 = arith.constant 0 : i32
    %dma_start3A_30 = tpu.memref_slice %arg3[%dma_start3A_25, %add3A_24, %dma_start3A_29] : memref<4x4096x2048xf32, #tpu.memory_space<hbm>> -> memref<1x16x2048xf32, #tpu.memory_space<hbm>>
    %dma_start3A_31 = tpu.memref_squeeze %dma_start3A_30 : memref<1x16x2048xf32, #tpu.memory_space<hbm>> -> memref<16x2048xf32, #tpu.memory_space<hbm>>
    tpu.enqueue_dma source(%arg4 : memref<16x2048xf32, #tpu.memory_space<vmem>>) target(%dma_start3A_31 : memref<16x2048xf32, #tpu.memory_space<hbm>>) target_semaphore(%arg10 : memref<!tpu.dma_semaphore, #tpu.memory_space<semaphore_mem>>)
    %add3A_32 = arith.constant 0 : i32
    %add3A_33 = arith.addi %mul3A_2, %add3A_32 : i32
    %dma_start3A_34 = arith.constant 1 : i32
    %dma_start3A_35 = arith.constant 0 : i32
    %dma_start3A_36 = tpu.memref_slice %arg3[%dma_start3A_34, %add3A_33, %dma_start3A_35] : memref<4x4096x2048xf32, #tpu.memory_space<hbm>> -> memref<1x16x2048xf32, #tpu.memory_space<hbm>>
    %dma_start3A_37 = tpu.memref_squeeze %dma_start3A_36 : memref<1x16x2048xf32, #tpu.memory_space<hbm>> -> memref<16x2048xf32, #tpu.memory_space<hbm>>
    %dma_start3A_38 = arith.constant 0 : i32
    %dma_start3A_39 = tpu.memref_slice %arg3[%dma_start3A_34, %add3A_33, %dma_start3A_38] : memref<4x4096x2048xf32, #tpu.memory_space<hbm>> -> memref<1x16x2048xf32, #tpu.memory_space<hbm>>
    %dma_start3A_40 = tpu.memref_squeeze %dma_start3A_39 : memref<1x16x2048xf32, #tpu.memory_space<hbm>> -> memref<16x2048xf32, #tpu.memory_space<hbm>>
    tpu.enqueue_dma source(%arg4 : memref<16x2048xf32, #tpu.memory_space<vmem>>) target(%dma_start3A_40 : memref<16x2048xf32, #tpu.memory_space<hbm>>) target_semaphore(%arg10 : memref<!tpu.dma_semaphore, #tpu.memory_space<semaphore_mem>>)
    %add3A_41 = arith.constant 0 : i32
    %add3A_42 = arith.addi %mul3A_2, %add3A_41 : i32
    %dma_start3A_43 = arith.constant 2 : i32
    %dma_start3A_44 = arith.constant 0 : i32
    %dma_start3A_45 = tpu.memref_slice %arg3[%dma_start3A_43, %add3A_42, %dma_start3A_44] : memref<4x4096x2048xf32, #tpu.memory_space<hbm>> -> memref<1x16x2048xf32, #tpu.memory_space<hbm>>
    %dma_start3A_46 = tpu.memref_squeeze %dma_start3A_45 : memref<1x16x2048xf32, #tpu.memory_space<hbm>> -> memref<16x2048xf32, #tpu.memory_space<hbm>>
    %dma_start3A_47 = arith.constant 0 : i32
    %dma_start3A_48 = tpu.memref_slice %arg3[%dma_start3A_43, %add3A_42, %dma_start3A_47] : memref<4x4096x2048xf32, #tpu.memory_space<hbm>> -> memref<1x16x2048xf32, #tpu.memory_space<hbm>>
    %dma_start3A_49 = tpu.memref_squeeze %dma_start3A_48 : memref<1x16x2048xf32, #tpu.memory_space<hbm>> -> memref<16x2048xf32, #tpu.memory_space<hbm>>
    tpu.enqueue_dma source(%arg4 : memref<16x2048xf32, #tpu.memory_space<vmem>>) target(%dma_start3A_49 : memref<16x2048xf32, #tpu.memory_space<hbm>>) target_semaphore(%arg10 : memref<!tpu.dma_semaphore, #tpu.memory_space<semaphore_mem>>)
    %add3A_50 = arith.constant 0 : i32
    %add3A_51 = arith.addi %mul3A_2, %add3A_50 : i32
    %dma_start3A_52 = arith.constant 3 : i32
    %dma_start3A_53 = arith.constant 0 : i32
    %dma_start3A_54 = tpu.memref_slice %arg3[%dma_start3A_52, %add3A_51, %dma_start3A_53] : memref<4x4096x2048xf32, #tpu.memory_space<hbm>> -> memref<1x16x2048xf32, #tpu.memory_space<hbm>>
    %dma_start3A_55 = tpu.memref_squeeze %dma_start3A_54 : memref<1x16x2048xf32, #tpu.memory_space<hbm>> -> memref<16x2048xf32, #tpu.memory_space<hbm>>
    %dma_start3A_56 = arith.constant 0 : i32
    %dma_start3A_57 = tpu.memref_slice %arg3[%dma_start3A_52, %add3A_51, %dma_start3A_56] : memref<4x4096x2048xf32, #tpu.memory_space<hbm>> -> memref<1x16x2048xf32, #tpu.memory_space<hbm>>
    %dma_start3A_58 = tpu.memref_squeeze %dma_start3A_57 : memref<1x16x2048xf32, #tpu.memory_space<hbm>> -> memref<16x2048xf32, #tpu.memory_space<hbm>>
    tpu.enqueue_dma source(%arg4 : memref<16x2048xf32, #tpu.memory_space<vmem>>) target(%dma_start3A_58 : memref<16x2048xf32, #tpu.memory_space<hbm>>) target_semaphore(%arg10 : memref<!tpu.dma_semaphore, #tpu.memory_space<semaphore_mem>>)
    %dma_wait3A_59 = arith.constant 0 : i32
    %dma_wait3A_60 = tpu.memref_slice %arg2[%add3A_9, %dma_wait3A_59] : memref<8192x2048xf32, #tpu.memory_space<hbm>> -> memref<16x2048xf32, #tpu.memory_space<hbm>>
    %dma_wait3A_61 = arith.constant 0 : i32
    %dma_wait3A_62 = tpu.memref_slice %arg2[%add3A_9, %dma_wait3A_61] : memref<8192x2048xf32, #tpu.memory_space<hbm>> -> memref<16x2048xf32, #tpu.memory_space<hbm>>
    tpu.wait_dma2 semaphore(%arg8 : memref<!tpu.dma_semaphore, #tpu.memory_space<semaphore_mem>>) src(%dma_wait3A_62 : memref<16x2048xf32, #tpu.memory_space<hbm>>) dst(%arg5 : memref<16x2048xf32, #tpu.memory_space<vmem>>)
    %add3A_63 = arith.constant 16 : i32
    %add3A_64 = arith.addi %mul3A_2, %add3A_63 : i32
    %dma_start3A_65 = arith.constant 0 : i32
    %dma_start3A_66 = arith.constant 0 : i32
    %dma_start3A_67 = tpu.memref_slice %arg3[%dma_start3A_65, %add3A_64, %dma_start3A_66] : memref<4x4096x2048xf32, #tpu.memory_space<hbm>> -> memref<1x16x2048xf32, #tpu.memory_space<hbm>>
    %dma_start3A_68 = tpu.memref_squeeze %dma_start3A_67 : memref<1x16x2048xf32, #tpu.memory_space<hbm>> -> memref<16x2048xf32, #tpu.memory_space<hbm>>
    %dma_start3A_69 = arith.constant 0 : i32
    %dma_start3A_70 = tpu.memref_slice %arg3[%dma_start3A_65, %add3A_64, %dma_start3A_69] : memref<4x4096x2048xf32, #tpu.memory_space<hbm>> -> memref<1x16x2048xf32, #tpu.memory_space<hbm>>
    %dma_start3A_71 = tpu.memref_squeeze %dma_start3A_70 : memref<1x16x2048xf32, #tpu.memory_space<hbm>> -> memref<16x2048xf32, #tpu.memory_space<hbm>>
    tpu.enqueue_dma source(%arg5 : memref<16x2048xf32, #tpu.memory_space<vmem>>) target(%dma_start3A_71 : memref<16x2048xf32, #tpu.memory_space<hbm>>) target_semaphore(%arg11 : memref<!tpu.dma_semaphore, #tpu.memory_space<semaphore_mem>>)
    %add3A_72 = arith.constant 16 : i32
    %add3A_73 = arith.addi %mul3A_2, %add3A_72 : i32
    %dma_start3A_74 = arith.constant 1 : i32
    %dma_start3A_75 = arith.constant 0 : i32
    %dma_start3A_76 = tpu.memref_slice %arg3[%dma_start3A_74, %add3A_73, %dma_start3A_75] : memref<4x4096x2048xf32, #tpu.memory_space<hbm>> -> memref<1x16x2048xf32, #tpu.memory_space<hbm>>
    %dma_start3A_77 = tpu.memref_squeeze %dma_start3A_76 : memref<1x16x2048xf32, #tpu.memory_space<hbm>> -> memref<16x2048xf32, #tpu.memory_space<hbm>>
    %dma_start3A_78 = arith.constant 0 : i32
    %dma_start3A_79 = tpu.memref_slice %arg3[%dma_start3A_74, %add3A_73, %dma_start3A_78] : memref<4x4096x2048xf32, #tpu.memory_space<hbm>> -> memref<1x16x2048xf32, #tpu.memory_space<hbm>>
    %dma_start3A_80 = tpu.memref_squeeze %dma_start3A_79 : memref<1x16x2048xf32, #tpu.memory_space<hbm>> -> memref<16x2048xf32, #tpu.memory_space<hbm>>
    tpu.enqueue_dma source(%arg5 : memref<16x2048xf32, #tpu.memory_space<vmem>>) target(%dma_start3A_80 : memref<16x2048xf32, #tpu.memory_space<hbm>>) target_semaphore(%arg11 : memref<!tpu.dma_semaphore, #tpu.memory_space<semaphore_mem>>)
    %add3A_81 = arith.constant 16 : i32
    %add3A_82 = arith.addi %mul3A_2, %add3A_81 : i32
    %dma_start3A_83 = arith.constant 2 : i32
    %dma_start3A_84 = arith.constant 0 : i32
    %dma_start3A_85 = tpu.memref_slice %arg3[%dma_start3A_83, %add3A_82, %dma_start3A_84] : memref<4x4096x2048xf32, #tpu.memory_space<hbm>> -> memref<1x16x2048xf32, #tpu.memory_space<hbm>>
    %dma_start3A_86 = tpu.memref_squeeze %dma_start3A_85 : memref<1x16x2048xf32, #tpu.memory_space<hbm>> -> memref<16x2048xf32, #tpu.memory_space<hbm>>
    %dma_start3A_87 = arith.constant 0 : i32
    %dma_start3A_88 = tpu.memref_slice %arg3[%dma_start3A_83, %add3A_82, %dma_start3A_87] : memref<4x4096x2048xf32, #tpu.memory_space<hbm>> -> memref<1x16x2048xf32, #tpu.memory_space<hbm>>
    %dma_start3A_89 = tpu.memref_squeeze %dma_start3A_88 : memref<1x16x2048xf32, #tpu.memory_space<hbm>> -> memref<16x2048xf32, #tpu.memory_space<hbm>>
    tpu.enqueue_dma source(%arg5 : memref<16x2048xf32, #tpu.memory_space<vmem>>) target(%dma_start3A_89 : memref<16x2048xf32, #tpu.memory_space<hbm>>) target_semaphore(%arg11 : memref<!tpu.dma_semaphore, #tpu.memory_space<semaphore_mem>>)
    %add3A_90 = arith.constant 16 : i32
    %add3A_91 = arith.addi %mul3A_2, %add3A_90 : i32
    %dma_start3A_92 = arith.constant 3 : i32
    %dma_start3A_93 = arith.constant 0 : i32
    %dma_start3A_94 = tpu.memref_slice %arg3[%dma_start3A_92, %add3A_91, %dma_start3A_93] : memref<4x4096x2048xf32, #tpu.memory_space<hbm>> -> memref<1x16x2048xf32, #tpu.memory_space<hbm>>
    %dma_start3A_95 = tpu.memref_squeeze %dma_start3A_94 : memref<1x16x2048xf32, #tpu.memory_space<hbm>> -> memref<16x2048xf32, #tpu.memory_space<hbm>>
    %dma_start3A_96 = arith.constant 0 : i32
    %dma_start3A_97 = tpu.memref_slice %arg3[%dma_start3A_92, %add3A_91, %dma_start3A_96] : memref<4x4096x2048xf32, #tpu.memory_space<hbm>> -> memref<1x16x2048xf32, #tpu.memory_space<hbm>>
    %dma_start3A_98 = tpu.memref_squeeze %dma_start3A_97 : memref<1x16x2048xf32, #tpu.memory_space<hbm>> -> memref<16x2048xf32, #tpu.memory_space<hbm>>
    tpu.enqueue_dma source(%arg5 : memref<16x2048xf32, #tpu.memory_space<vmem>>) target(%dma_start3A_98 : memref<16x2048xf32, #tpu.memory_space<hbm>>) target_semaphore(%arg11 : memref<!tpu.dma_semaphore, #tpu.memory_space<semaphore_mem>>)
    %dma_wait3A_99 = arith.constant 0 : i32
    %dma_wait3A_100 = tpu.memref_slice %arg2[%add3A_15, %dma_wait3A_99] : memref<8192x2048xf32, #tpu.memory_space<hbm>> -> memref<16x2048xf32, #tpu.memory_space<hbm>>
    %dma_wait3A_101 = arith.constant 0 : i32
    %dma_wait3A_102 = tpu.memref_slice %arg2[%add3A_15, %dma_wait3A_101] : memref<8192x2048xf32, #tpu.memory_space<hbm>> -> memref<16x2048xf32, #tpu.memory_space<hbm>>
    tpu.wait_dma2 semaphore(%arg9 : memref<!tpu.dma_semaphore, #tpu.memory_space<semaphore_mem>>) src(%dma_wait3A_102 : memref<16x2048xf32, #tpu.memory_space<hbm>>) dst(%arg6 : memref<16x2048xf32, #tpu.memory_space<vmem>>)
    %dma_wait3A_103 = arith.constant 0 : i32
    %dma_wait3A_104 = arith.constant 0 : i32
    %dma_wait3A_105 = tpu.memref_slice %arg3[%dma_wait3A_103, %add3A_24, %dma_wait3A_104] : memref<4x4096x2048xf32, #tpu.memory_space<hbm>> -> memref<1x16x2048xf32, #tpu.memory_space<hbm>>
    %dma_wait3A_106 = tpu.memref_squeeze %dma_wait3A_105 : memref<1x16x2048xf32, #tpu.memory_space<hbm>> -> memref<16x2048xf32, #tpu.memory_space<hbm>>
    %dma_wait3A_107 = arith.constant 0 : i32
    %dma_wait3A_108 = tpu.memref_slice %arg3[%dma_wait3A_103, %add3A_24, %dma_wait3A_107] : memref<4x4096x2048xf32, #tpu.memory_space<hbm>> -> memref<1x16x2048xf32, #tpu.memory_space<hbm>>
    %dma_wait3A_109 = tpu.memref_squeeze %dma_wait3A_108 : memref<1x16x2048xf32, #tpu.memory_space<hbm>> -> memref<16x2048xf32, #tpu.memory_space<hbm>>
    tpu.wait_dma2 semaphore(%arg10 : memref<!tpu.dma_semaphore, #tpu.memory_space<semaphore_mem>>) src(%arg4 : memref<16x2048xf32, #tpu.memory_space<vmem>>) dst(%dma_wait3A_109 : memref<16x2048xf32, #tpu.memory_space<hbm>>)
    %dma_wait3A_110 = arith.constant 1 : i32
    %dma_wait3A_111 = arith.constant 0 : i32
    %dma_wait3A_112 = tpu.memref_slice %arg3[%dma_wait3A_110, %add3A_33, %dma_wait3A_111] : memref<4x4096x2048xf32, #tpu.memory_space<hbm>> -> memref<1x16x2048xf32, #tpu.memory_space<hbm>>
    %dma_wait3A_113 = tpu.memref_squeeze %dma_wait3A_112 : memref<1x16x2048xf32, #tpu.memory_space<hbm>> -> memref<16x2048xf32, #tpu.memory_space<hbm>>
    %dma_wait3A_114 = arith.constant 0 : i32
    %dma_wait3A_115 = tpu.memref_slice %arg3[%dma_wait3A_110, %add3A_33, %dma_wait3A_114] : memref<4x4096x2048xf32, #tpu.memory_space<hbm>> -> memref<1x16x2048xf32, #tpu.memory_space<hbm>>
    %dma_wait3A_116 = tpu.memref_squeeze %dma_wait3A_115 : memref<1x16x2048xf32, #tpu.memory_space<hbm>> -> memref<16x2048xf32, #tpu.memory_space<hbm>>
    tpu.wait_dma2 semaphore(%arg10 : memref<!tpu.dma_semaphore, #tpu.memory_space<semaphore_mem>>) src(%arg4 : memref<16x2048xf32, #tpu.memory_space<vmem>>) dst(%dma_wait3A_116 : memref<16x2048xf32, #tpu.memory_space<hbm>>)
    %dma_wait3A_117 = arith.constant 2 : i32
    %dma_wait3A_118 = arith.constant 0 : i32
    %dma_wait3A_119 = tpu.memref_slice %arg3[%dma_wait3A_117, %add3A_42, %dma_wait3A_118] : memref<4x4096x2048xf32, #tpu.memory_space<hbm>> -> memref<1x16x2048xf32, #tpu.memory_space<hbm>>
    %dma_wait3A_120 = tpu.memref_squeeze %dma_wait3A_119 : memref<1x16x2048xf32, #tpu.memory_space<hbm>> -> memref<16x2048xf32, #tpu.memory_space<hbm>>
    %dma_wait3A_121 = arith.constant 0 : i32
    %dma_wait3A_122 = tpu.memref_slice %arg3[%dma_wait3A_117, %add3A_42, %dma_wait3A_121] : memref<4x4096x2048xf32, #tpu.memory_space<hbm>> -> memref<1x16x2048xf32, #tpu.memory_space<hbm>>
    %dma_wait3A_123 = tpu.memref_squeeze %dma_wait3A_122 : memref<1x16x2048xf32, #tpu.memory_space<hbm>> -> memref<16x2048xf32, #tpu.memory_space<hbm>>
    tpu.wait_dma2 semaphore(%arg10 : memref<!tpu.dma_semaphore, #tpu.memory_space<semaphore_mem>>) src(%arg4 : memref<16x2048xf32, #tpu.memory_space<vmem>>) dst(%dma_wait3A_123 : memref<16x2048xf32, #tpu.memory_space<hbm>>)
    %dma_wait3A_124 = arith.constant 3 : i32
    %dma_wait3A_125 = arith.constant 0 : i32
    %dma_wait3A_126 = tpu.memref_slice %arg3[%dma_wait3A_124, %add3A_51, %dma_wait3A_125] : memref<4x4096x2048xf32, #tpu.memory_space<hbm>> -> memref<1x16x2048xf32, #tpu.memory_space<hbm>>
    %dma_wait3A_127 = tpu.memref_squeeze %dma_wait3A_126 : memref<1x16x2048xf32, #tpu.memory_space<hbm>> -> memref<16x2048xf32, #tpu.memory_space<hbm>>
    %dma_wait3A_128 = arith.constant 0 : i32
    %dma_wait3A_129 = tpu.memref_slice %arg3[%dma_wait3A_124, %add3A_51, %dma_wait3A_128] : memref<4x4096x2048xf32, #tpu.memory_space<hbm>> -> memref<1x16x2048xf32, #tpu.memory_space<hbm>>
    %dma_wait3A_130 = tpu.memref_squeeze %dma_wait3A_129 : memref<1x16x2048xf32, #tpu.memory_space<hbm>> -> memref<16x2048xf32, #tpu.memory_space<hbm>>
    tpu.wait_dma2 semaphore(%arg10 : memref<!tpu.dma_semaphore, #tpu.memory_space<semaphore_mem>>) src(%arg4 : memref<16x2048xf32, #tpu.memory_space<vmem>>) dst(%dma_wait3A_130 : memref<16x2048xf32, #tpu.memory_space<hbm>>)
    %add3A_131 = arith.constant 48 : i32
    %add3A_132 = arith.addi %mul3A_2, %add3A_131 : i32
    %dma_start3A_133 = arith.constant 0 : i32
    %dma_start3A_134 = tpu.memref_slice %arg2[%add3A_132, %dma_start3A_133] : memref<8192x2048xf32, #tpu.memory_space<hbm>> -> memref<16x2048xf32, #tpu.memory_space<hbm>>
    %dma_start3A_135 = arith.constant 0 : i32
    %dma_start3A_136 = tpu.memref_slice %arg2[%add3A_132, %dma_start3A_135] : memref<8192x2048xf32, #tpu.memory_space<hbm>> -> memref<16x2048xf32, #tpu.memory_space<hbm>>
    tpu.enqueue_dma source(%dma_start3A_136 : memref<16x2048xf32, #tpu.memory_space<hbm>>) target(%arg4 : memref<16x2048xf32, #tpu.memory_space<vmem>>) target_semaphore(%arg7 : memref<!tpu.dma_semaphore, #tpu.memory_space<semaphore_mem>>)
    %add3A_137 = arith.constant 32 : i32
    %add3A_138 = arith.addi %mul3A_2, %add3A_137 : i32
    %dma_start3A_139 = arith.constant 0 : i32
    %dma_start3A_140 = arith.constant 0 : i32
    %dma_start3A_141 = tpu.memref_slice %arg3[%dma_start3A_139, %add3A_138, %dma_start3A_140] : memref<4x4096x2048xf32, #tpu.memory_space<hbm>> -> memref<1x16x2048xf32, #tpu.memory_space<hbm>>
    %dma_start3A_142 = tpu.memref_squeeze %dma_start3A_141 : memref<1x16x2048xf32, #tpu.memory_space<hbm>> -> memref<16x2048xf32, #tpu.memory_space<hbm>>
    %dma_start3A_143 = arith.constant 0 : i32
    %dma_start3A_144 = tpu.memref_slice %arg3[%dma_start3A_139, %add3A_138, %dma_start3A_143] : memref<4x4096x2048xf32, #tpu.memory_space<hbm>> -> memref<1x16x2048xf32, #tpu.memory_space<hbm>>
    %dma_start3A_145 = tpu.memref_squeeze %dma_start3A_144 : memref<1x16x2048xf32, #tpu.memory_space<hbm>> -> memref<16x2048xf32, #tpu.memory_space<hbm>>
    tpu.enqueue_dma source(%arg6 : memref<16x2048xf32, #tpu.memory_space<vmem>>) target(%dma_start3A_145 : memref<16x2048xf32, #tpu.memory_space<hbm>>) target_semaphore(%arg12 : memref<!tpu.dma_semaphore, #tpu.memory_space<semaphore_mem>>)
    %add3A_146 = arith.constant 32 : i32
    %add3A_147 = arith.addi %mul3A_2, %add3A_146 : i32
    %dma_start3A_148 = arith.constant 1 : i32
    %dma_start3A_149 = arith.constant 0 : i32
    %dma_start3A_150 = tpu.memref_slice %arg3[%dma_start3A_148, %add3A_147, %dma_start3A_149] : memref<4x4096x2048xf32, #tpu.memory_space<hbm>> -> memref<1x16x2048xf32, #tpu.memory_space<hbm>>
    %dma_start3A_151 = tpu.memref_squeeze %dma_start3A_150 : memref<1x16x2048xf32, #tpu.memory_space<hbm>> -> memref<16x2048xf32, #tpu.memory_space<hbm>>
    %dma_start3A_152 = arith.constant 0 : i32
    %dma_start3A_153 = tpu.memref_slice %arg3[%dma_start3A_148, %add3A_147, %dma_start3A_152] : memref<4x4096x2048xf32, #tpu.memory_space<hbm>> -> memref<1x16x2048xf32, #tpu.memory_space<hbm>>
    %dma_start3A_154 = tpu.memref_squeeze %dma_start3A_153 : memref<1x16x2048xf32, #tpu.memory_space<hbm>> -> memref<16x2048xf32, #tpu.memory_space<hbm>>
    tpu.enqueue_dma source(%arg6 : memref<16x2048xf32, #tpu.memory_space<vmem>>) target(%dma_start3A_154 : memref<16x2048xf32, #tpu.memory_space<hbm>>) target_semaphore(%arg12 : memref<!tpu.dma_semaphore, #tpu.memory_space<semaphore_mem>>)
    %add3A_155 = arith.constant 32 : i32
    %add3A_156 = arith.addi %mul3A_2, %add3A_155 : i32
    %dma_start3A_157 = arith.constant 2 : i32
    %dma_start3A_158 = arith.constant 0 : i32
    %dma_start3A_159 = tpu.memref_slice %arg3[%dma_start3A_157, %add3A_156, %dma_start3A_158] : memref<4x4096x2048xf32, #tpu.memory_space<hbm>> -> memref<1x16x2048xf32, #tpu.memory_space<hbm>>
    %dma_start3A_160 = tpu.memref_squeeze %dma_start3A_159 : memref<1x16x2048xf32, #tpu.memory_space<hbm>> -> memref<16x2048xf32, #tpu.memory_space<hbm>>
    %dma_start3A_161 = arith.constant 0 : i32
    %dma_start3A_162 = tpu.memref_slice %arg3[%dma_start3A_157, %add3A_156, %dma_start3A_161] : memref<4x4096x2048xf32, #tpu.memory_space<hbm>> -> memref<1x16x2048xf32, #tpu.memory_space<hbm>>
    %dma_start3A_163 = tpu.memref_squeeze %dma_start3A_162 : memref<1x16x2048xf32, #tpu.memory_space<hbm>> -> memref<16x2048xf32, #tpu.memory_space<hbm>>
    tpu.enqueue_dma source(%arg6 : memref<16x2048xf32, #tpu.memory_space<vmem>>) target(%dma_start3A_163 : memref<16x2048xf32, #tpu.memory_space<hbm>>) target_semaphore(%arg12 : memref<!tpu.dma_semaphore, #tpu.memory_space<semaphore_mem>>)
    %add3A_164 = arith.constant 32 : i32
    %add3A_165 = arith.addi %mul3A_2, %add3A_164 : i32
    %dma_start3A_166 = arith.constant 3 : i32
    %dma_start3A_167 = arith.constant 0 : i32
    %dma_start3A_168 = tpu.memref_slice %arg3[%dma_start3A_166, %add3A_165, %dma_start3A_167] : memref<4x4096x2048xf32, #tpu.memory_space<hbm>> -> memref<1x16x2048xf32, #tpu.memory_space<hbm>>
    %dma_start3A_169 = tpu.memref_squeeze %dma_start3A_168 : memref<1x16x2048xf32, #tpu.memory_space<hbm>> -> memref<16x2048xf32, #tpu.memory_space<hbm>>
    %dma_start3A_170 = arith.constant 0 : i32
    %dma_start3A_171 = tpu.memref_slice %arg3[%dma_start3A_166, %add3A_165, %dma_start3A_170] : memref<4x4096x2048xf32, #tpu.memory_space<hbm>> -> memref<1x16x2048xf32, #tpu.memory_space<hbm>>
    %dma_start3A_172 = tpu.memref_squeeze %dma_start3A_171 : memref<1x16x2048xf32, #tpu.memory_space<hbm>> -> memref<16x2048xf32, #tpu.memory_space<hbm>>
    tpu.enqueue_dma source(%arg6 : memref<16x2048xf32, #tpu.memory_space<vmem>>) target(%dma_start3A_172 : memref<16x2048xf32, #tpu.memory_space<hbm>>) target_semaphore(%arg12 : memref<!tpu.dma_semaphore, #tpu.memory_space<semaphore_mem>>)
    %dma_wait3A_173 = arith.constant 0 : i32
    %dma_wait3A_174 = tpu.memref_slice %arg2[%add3A_132, %dma_wait3A_173] : memref<8192x2048xf32, #tpu.memory_space<hbm>> -> memref<16x2048xf32, #tpu.memory_space<hbm>>
    %dma_wait3A_175 = arith.constant 0 : i32
    %dma_wait3A_176 = tpu.memref_slice %arg2[%add3A_132, %dma_wait3A_175] : memref<8192x2048xf32, #tpu.memory_space<hbm>> -> memref<16x2048xf32, #tpu.memory_space<hbm>>
    tpu.wait_dma2 semaphore(%arg7 : memref<!tpu.dma_semaphore, #tpu.memory_space<semaphore_mem>>) src(%dma_wait3A_176 : memref<16x2048xf32, #tpu.memory_space<hbm>>) dst(%arg4 : memref<16x2048xf32, #tpu.memory_space<vmem>>)
    %dma_wait3A_177 = arith.constant 0 : i32
    %dma_wait3A_178 = arith.constant 0 : i32
    %dma_wait3A_179 = tpu.memref_slice %arg3[%dma_wait3A_177, %add3A_64, %dma_wait3A_178] : memref<4x4096x2048xf32, #tpu.memory_space<hbm>> -> memref<1x16x2048xf32, #tpu.memory_space<hbm>>
    %dma_wait3A_180 = tpu.memref_squeeze %dma_wait3A_179 : memref<1x16x2048xf32, #tpu.memory_space<hbm>> -> memref<16x2048xf32, #tpu.memory_space<hbm>>
    %dma_wait3A_181 = arith.constant 0 : i32
    %dma_wait3A_182 = tpu.memref_slice %arg3[%dma_wait3A_177, %add3A_64, %dma_wait3A_181] : memref<4x4096x2048xf32, #tpu.memory_space<hbm>> -> memref<1x16x2048xf32, #tpu.memory_space<hbm>>
    %dma_wait3A_183 = tpu.memref_squeeze %dma_wait3A_182 : memref<1x16x2048xf32, #tpu.memory_space<hbm>> -> memref<16x2048xf32, #tpu.memory_space<hbm>>
    tpu.wait_dma2 semaphore(%arg11 : memref<!tpu.dma_semaphore, #tpu.memory_space<semaphore_mem>>) src(%arg5 : memref<16x2048xf32, #tpu.memory_space<vmem>>) dst(%dma_wait3A_183 : memref<16x2048xf32, #tpu.memory_space<hbm>>)
    %dma_wait3A_184 = arith.constant 1 : i32
    %dma_wait3A_185 = arith.constant 0 : i32
    %dma_wait3A_186 = tpu.memref_slice %arg3[%dma_wait3A_184, %add3A_73, %dma_wait3A_185] : memref<4x4096x2048xf32, #tpu.memory_space<hbm>> -> memref<1x16x2048xf32, #tpu.memory_space<hbm>>
    %dma_wait3A_187 = tpu.memref_squeeze %dma_wait3A_186 : memref<1x16x2048xf32, #tpu.memory_space<hbm>> -> memref<16x2048xf32, #tpu.memory_space<hbm>>
    %dma_wait3A_188 = arith.constant 0 : i32
    %dma_wait3A_189 = tpu.memref_slice %arg3[%dma_wait3A_184, %add3A_73, %dma_wait3A_188] : memref<4x4096x2048xf32, #tpu.memory_space<hbm>> -> memref<1x16x2048xf32, #tpu.memory_space<hbm>>
    %dma_wait3A_190 = tpu.memref_squeeze %dma_wait3A_189 : memref<1x16x2048xf32, #tpu.memory_space<hbm>> -> memref<16x2048xf32, #tpu.memory_space<hbm>>
    tpu.wait_dma2 semaphore(%arg11 : memref<!tpu.dma_semaphore, #tpu.memory_space<semaphore_mem>>) src(%arg5 : memref<16x2048xf32, #tpu.memory_space<vmem>>) dst(%dma_wait3A_190 : memref<16x2048xf32, #tpu.memory_space<hbm>>)
    %dma_wait3A_191 = arith.constant 2 : i32
    %dma_wait3A_192 = arith.constant 0 : i32
    %dma_wait3A_193 = tpu.memref_slice %arg3[%dma_wait3A_191, %add3A_82, %dma_wait3A_192] : memref<4x4096x2048xf32, #tpu.memory_space<hbm>> -> memref<1x16x2048xf32, #tpu.memory_space<hbm>>
    %dma_wait3A_194 = tpu.memref_squeeze %dma_wait3A_193 : memref<1x16x2048xf32, #tpu.memory_space<hbm>> -> memref<16x2048xf32, #tpu.memory_space<hbm>>
    %dma_wait3A_195 = arith.constant 0 : i32
    %dma_wait3A_196 = tpu.memref_slice %arg3[%dma_wait3A_191, %add3A_82, %dma_wait3A_195] : memref<4x4096x2048xf32, #tpu.memory_space<hbm>> -> memref<1x16x2048xf32, #tpu.memory_space<hbm>>
    %dma_wait3A_197 = tpu.memref_squeeze %dma_wait3A_196 : memref<1x16x2048xf32, #tpu.memory_space<hbm>> -> memref<16x2048xf32, #tpu.memory_space<hbm>>
    tpu.wait_dma2 semaphore(%arg11 : memref<!tpu.dma_semaphore, #tpu.memory_space<semaphore_mem>>) src(%arg5 : memref<16x2048xf32, #tpu.memory_space<vmem>>) dst(%dma_wait3A_197 : memref<16x2048xf32, #tpu.memory_space<hbm>>)
    %dma_wait3A_198 = arith.constant 3 : i32
    %dma_wait3A_199 = arith.constant 0 : i32
    %dma_wait3A_200 = tpu.memref_slice %arg3[%dma_wait3A_198, %add3A_91, %dma_wait3A_199] : memref<4x4096x2048xf32, #tpu.memory_space<hbm>> -> memref<1x16x2048xf32, #tpu.memory_space<hbm>>
    %dma_wait3A_201 = tpu.memref_squeeze %dma_wait3A_200 : memref<1x16x2048xf32, #tpu.memory_space<hbm>> -> memref<16x2048xf32, #tpu.memory_space<hbm>>
    %dma_wait3A_202 = arith.constant 0 : i32
    %dma_wait3A_203 = tpu.memref_slice %arg3[%dma_wait3A_198, %add3A_91, %dma_wait3A_202] : memref<4x4096x2048xf32, #tpu.memory_space<hbm>> -> memref<1x16x2048xf32, #tpu.memory_space<hbm>>
    %dma_wait3A_204 = tpu.memref_squeeze %dma_wait3A_203 : memref<1x16x2048xf32, #tpu.memory_space<hbm>> -> memref<16x2048xf32, #tpu.memory_space<hbm>>
    tpu.wait_dma2 semaphore(%arg11 : memref<!tpu.dma_semaphore, #tpu.memory_space<semaphore_mem>>) src(%arg5 : memref<16x2048xf32, #tpu.memory_space<vmem>>) dst(%dma_wait3A_204 : memref<16x2048xf32, #tpu.memory_space<hbm>>)
    %add3A_205 = arith.constant 64 : i32
    %add3A_206 = arith.addi %mul3A_2, %add3A_205 : i32
    %dma_start3A_207 = arith.constant 0 : i32
    %dma_start3A_208 = tpu.memref_slice %arg2[%add3A_206, %dma_start3A_207] : memref<8192x2048xf32, #tpu.memory_space<hbm>> -> memref<16x2048xf32, #tpu.memory_space<hbm>>
    %dma_start3A_209 = arith.constant 0 : i32
    %dma_start3A_210 = tpu.memref_slice %arg2[%add3A_206, %dma_start3A_209] : memref<8192x2048xf32, #tpu.memory_space<hbm>> -> memref<16x2048xf32, #tpu.memory_space<hbm>>
    tpu.enqueue_dma source(%dma_start3A_210 : memref<16x2048xf32, #tpu.memory_space<hbm>>) target(%arg5 : memref<16x2048xf32, #tpu.memory_space<vmem>>) target_semaphore(%arg8 : memref<!tpu.dma_semaphore, #tpu.memory_space<semaphore_mem>>)
    %add3A_211 = arith.constant 48 : i32
    %add3A_212 = arith.addi %mul3A_2, %add3A_211 : i32
    %dma_start3A_213 = arith.constant 0 : i32
    %dma_start3A_214 = arith.constant 0 : i32
    %dma_start3A_215 = tpu.memref_slice %arg3[%dma_start3A_213, %add3A_212, %dma_start3A_214] : memref<4x4096x2048xf32, #tpu.memory_space<hbm>> -> memref<1x16x2048xf32, #tpu.memory_space<hbm>>
    %dma_start3A_216 = tpu.memref_squeeze %dma_start3A_215 : memref<1x16x2048xf32, #tpu.memory_space<hbm>> -> memref<16x2048xf32, #tpu.memory_space<hbm>>
    %dma_start3A_217 = arith.constant 0 : i32
    %dma_start3A_218 = tpu.memref_slice %arg3[%dma_start3A_213, %add3A_212, %dma_start3A_217] : memref<4x4096x2048xf32, #tpu.memory_space<hbm>> -> memref<1x16x2048xf32, #tpu.memory_space<hbm>>
    %dma_start3A_219 = tpu.memref_squeeze %dma_start3A_218 : memref<1x16x2048xf32, #tpu.memory_space<hbm>> -> memref<16x2048xf32, #tpu.memory_space<hbm>>
    tpu.enqueue_dma source(%arg4 : memref<16x2048xf32, #tpu.memory_space<vmem>>) target(%dma_start3A_219 : memref<16x2048xf32, #tpu.memory_space<hbm>>) target_semaphore(%arg10 : memref<!tpu.dma_semaphore, #tpu.memory_space<semaphore_mem>>)
    %add3A_220 = arith.constant 48 : i32
    %add3A_221 = arith.addi %mul3A_2, %add3A_220 : i32
    %dma_start3A_222 = arith.constant 1 : i32
    %dma_start3A_223 = arith.constant 0 : i32
    %dma_start3A_224 = tpu.memref_slice %arg3[%dma_start3A_222, %add3A_221, %dma_start3A_223] : memref<4x4096x2048xf32, #tpu.memory_space<hbm>> -> memref<1x16x2048xf32, #tpu.memory_space<hbm>>
    %dma_start3A_225 = tpu.memref_squeeze %dma_start3A_224 : memref<1x16x2048xf32, #tpu.memory_space<hbm>> -> memref<16x2048xf32, #tpu.memory_space<hbm>>
    %dma_start3A_226 = arith.constant 0 : i32
    %dma_start3A_227 = tpu.memref_slice %arg3[%dma_start3A_222, %add3A_221, %dma_start3A_226] : memref<4x4096x2048xf32, #tpu.memory_space<hbm>> -> memref<1x16x2048xf32, #tpu.memory_space<hbm>>
    %dma_start3A_228 = tpu.memref_squeeze %dma_start3A_227 : memref<1x16x2048xf32, #tpu.memory_space<hbm>> -> memref<16x2048xf32, #tpu.memory_space<hbm>>
    tpu.enqueue_dma source(%arg4 : memref<16x2048xf32, #tpu.memory_space<vmem>>) target(%dma_start3A_228 : memref<16x2048xf32, #tpu.memory_space<hbm>>) target_semaphore(%arg10 : memref<!tpu.dma_semaphore, #tpu.memory_space<semaphore_mem>>)
    %add3A_229 = arith.constant 48 : i32
    %add3A_230 = arith.addi %mul3A_2, %add3A_229 : i32
    %dma_start3A_231 = arith.constant 2 : i32
    %dma_start3A_232 = arith.constant 0 : i32
    %dma_start3A_233 = tpu.memref_slice %arg3[%dma_start3A_231, %add3A_230, %dma_start3A_232] : memref<4x4096x2048xf32, #tpu.memory_space<hbm>> -> memref<1x16x2048xf32, #tpu.memory_space<hbm>>
    %dma_start3A_234 = tpu.memref_squeeze %dma_start3A_233 : memref<1x16x2048xf32, #tpu.memory_space<hbm>> -> memref<16x2048xf32, #tpu.memory_space<hbm>>
    %dma_start3A_235 = arith.constant 0 : i32
    %dma_start3A_236 = tpu.memref_slice %arg3[%dma_start3A_231, %add3A_230, %dma_start3A_235] : memref<4x4096x2048xf32, #tpu.memory_space<hbm>> -> memref<1x16x2048xf32, #tpu.memory_space<hbm>>
    %dma_start3A_237 = tpu.memref_squeeze %dma_start3A_236 : memref<1x16x2048xf32, #tpu.memory_space<hbm>> -> memref<16x2048xf32, #tpu.memory_space<hbm>>
    tpu.enqueue_dma source(%arg4 : memref<16x2048xf32, #tpu.memory_space<vmem>>) target(%dma_start3A_237 : memref<16x2048xf32, #tpu.memory_space<hbm>>) target_semaphore(%arg10 : memref<!tpu.dma_semaphore, #tpu.memory_space<semaphore_mem>>)
    %add3A_238 = arith.constant 48 : i32
    %add3A_239 = arith.addi %mul3A_2, %add3A_238 : i32
    %dma_start3A_240 = arith.constant 3 : i32
    %dma_start3A_241 = arith.constant 0 : i32
    %dma_start3A_242 = tpu.memref_slice %arg3[%dma_start3A_240, %add3A_239, %dma_start3A_241] : memref<4x4096x2048xf32, #tpu.memory_space<hbm>> -> memref<1x16x2048xf32, #tpu.memory_space<hbm>>
    %dma_start3A_243 = tpu.memref_squeeze %dma_start3A_242 : memref<1x16x2048xf32, #tpu.memory_space<hbm>> -> memref<16x2048xf32, #tpu.memory_space<hbm>>
    %dma_start3A_244 = arith.constant 0 : i32
    %dma_start3A_245 = tpu.memref_slice %arg3[%dma_start3A_240, %add3A_239, %dma_start3A_244] : memref<4x4096x2048xf32, #tpu.memory_space<hbm>> -> memref<1x16x2048xf32, #tpu.memory_space<hbm>>
    %dma_start3A_246 = tpu.memref_squeeze %dma_start3A_245 : memref<1x16x2048xf32, #tpu.memory_space<hbm>> -> memref<16x2048xf32, #tpu.memory_space<hbm>>
    tpu.enqueue_dma source(%arg4 : memref<16x2048xf32, #tpu.memory_space<vmem>>) target(%dma_start3A_246 : memref<16x2048xf32, #tpu.memory_space<hbm>>) target_semaphore(%arg10 : memref<!tpu.dma_semaphore, #tpu.memory_space<semaphore_mem>>)
    %dma_wait3A_247 = arith.constant 0 : i32
    %dma_wait3A_248 = tpu.memref_slice %arg2[%add3A_206, %dma_wait3A_247] : memref<8192x2048xf32, #tpu.memory_space<hbm>> -> memref<16x2048xf32, #tpu.memory_space<hbm>>
    %dma_wait3A_249 = arith.constant 0 : i32
    %dma_wait3A_250 = tpu.memref_slice %arg2[%add3A_206, %dma_wait3A_249] : memref<8192x2048xf32, #tpu.memory_space<hbm>> -> memref<16x2048xf32, #tpu.memory_space<hbm>>
    tpu.wait_dma2 semaphore(%arg8 : memref<!tpu.dma_semaphore, #tpu.memory_space<semaphore_mem>>) src(%dma_wait3A_250 : memref<16x2048xf32, #tpu.memory_space<hbm>>) dst(%arg5 : memref<16x2048xf32, #tpu.memory_space<vmem>>)
    %dma_wait3A_251 = arith.constant 0 : i32
    %dma_wait3A_252 = arith.constant 0 : i32
    %dma_wait3A_253 = tpu.memref_slice %arg3[%dma_wait3A_251, %add3A_138, %dma_wait3A_252] : memref<4x4096x2048xf32, #tpu.memory_space<hbm>> -> memref<1x16x2048xf32, #tpu.memory_space<hbm>>
    %dma_wait3A_254 = tpu.memref_squeeze %dma_wait3A_253 : memref<1x16x2048xf32, #tpu.memory_space<hbm>> -> memref<16x2048xf32, #tpu.memory_space<hbm>>
    %dma_wait3A_255 = arith.constant 0 : i32
    %dma_wait3A_256 = tpu.memref_slice %arg3[%dma_wait3A_251, %add3A_138, %dma_wait3A_255] : memref<4x4096x2048xf32, #tpu.memory_space<hbm>> -> memref<1x16x2048xf32, #tpu.memory_space<hbm>>
    %dma_wait3A_257 = tpu.memref_squeeze %dma_wait3A_256 : memref<1x16x2048xf32, #tpu.memory_space<hbm>> -> memref<16x2048xf32, #tpu.memory_space<hbm>>
    tpu.wait_dma2 semaphore(%arg12 : memref<!tpu.dma_semaphore, #tpu.memory_space<semaphore_mem>>) src(%arg6 : memref<16x2048xf32, #tpu.memory_space<vmem>>) dst(%dma_wait3A_257 : memref<16x2048xf32, #tpu.memory_space<hbm>>)
    %dma_wait3A_258 = arith.constant 1 : i32
    %dma_wait3A_259 = arith.constant 0 : i32
    %dma_wait3A_260 = tpu.memref_slice %arg3[%dma_wait3A_258, %add3A_147, %dma_wait3A_259] : memref<4x4096x2048xf32, #tpu.memory_space<hbm>> -> memref<1x16x2048xf32, #tpu.memory_space<hbm>>
    %dma_wait3A_261 = tpu.memref_squeeze %dma_wait3A_260 : memref<1x16x2048xf32, #tpu.memory_space<hbm>> -> memref<16x2048xf32, #tpu.memory_space<hbm>>
    %dma_wait3A_262 = arith.constant 0 : i32
    %dma_wait3A_263 = tpu.memref_slice %arg3[%dma_wait3A_258, %add3A_147, %dma_wait3A_262] : memref<4x4096x2048xf32, #tpu.memory_space<hbm>> -> memref<1x16x2048xf32, #tpu.memory_space<hbm>>
    %dma_wait3A_264 = tpu.memref_squeeze %dma_wait3A_263 : memref<1x16x2048xf32, #tpu.memory_space<hbm>> -> memref<16x2048xf32, #tpu.memory_space<hbm>>
    tpu.wait_dma2 semaphore(%arg12 : memref<!tpu.dma_semaphore, #tpu.memory_space<semaphore_mem>>) src(%arg6 : memref<16x2048xf32, #tpu.memory_space<vmem>>) dst(%dma_wait3A_264 : memref<16x2048xf32, #tpu.memory_space<hbm>>)
    %dma_wait3A_265 = arith.constant 2 : i32
    %dma_wait3A_266 = arith.constant 0 : i32
    %dma_wait3A_267 = tpu.memref_slice %arg3[%dma_wait3A_265, %add3A_156, %dma_wait3A_266] : memref<4x4096x2048xf32, #tpu.memory_space<hbm>> -> memref<1x16x2048xf32, #tpu.memory_space<hbm>>
    %dma_wait3A_268 = tpu.memref_squeeze %dma_wait3A_267 : memref<1x16x2048xf32, #tpu.memory_space<hbm>> -> memref<16x2048xf32, #tpu.memory_space<hbm>>
    %dma_wait3A_269 = arith.constant 0 : i32
    %dma_wait3A_270 = tpu.memref_slice %arg3[%dma_wait3A_265, %add3A_156, %dma_wait3A_269] : memref<4x4096x2048xf32, #tpu.memory_space<hbm>> -> memref<1x16x2048xf32, #tpu.memory_space<hbm>>
    %dma_wait3A_271 = tpu.memref_squeeze %dma_wait3A_270 : memref<1x16x2048xf32, #tpu.memory_space<hbm>> -> memref<16x2048xf32, #tpu.memory_space<hbm>>
    tpu.wait_dma2 semaphore(%arg12 : memref<!tpu.dma_semaphore, #tpu.memory_space<semaphore_mem>>) src(%arg6 : memref<16x2048xf32, #tpu.memory_space<vmem>>) dst(%dma_wait3A_271 : memref<16x2048xf32, #tpu.memory_space<hbm>>)
    %dma_wait3A_272 = arith.constant 3 : i32
    %dma_wait3A_273 = arith.constant 0 : i32
    %dma_wait3A_274 = tpu.memref_slice %arg3[%dma_wait3A_272, %add3A_165, %dma_wait3A_273] : memref<4x4096x2048xf32, #tpu.memory_space<hbm>> -> memref<1x16x2048xf32, #tpu.memory_space<hbm>>
    %dma_wait3A_275 = tpu.memref_squeeze %dma_wait3A_274 : memref<1x16x2048xf32, #tpu.memory_space<hbm>> -> memref<16x2048xf32, #tpu.memory_space<hbm>>
    %dma_wait3A_276 = arith.constant 0 : i32
    %dma_wait3A_277 = tpu.memref_slice %arg3[%dma_wait3A_272, %add3A_165, %dma_wait3A_276] : memref<4x4096x2048xf32, #tpu.memory_space<hbm>> -> memref<1x16x2048xf32, #tpu.memory_space<hbm>>
    %dma_wait3A_278 = tpu.memref_squeeze %dma_wait3A_277 : memref<1x16x2048xf32, #tpu.memory_space<hbm>> -> memref<16x2048xf32, #tpu.memory_space<hbm>>
    tpu.wait_dma2 semaphore(%arg12 : memref<!tpu.dma_semaphore, #tpu.memory_space<semaphore_mem>>) src(%arg6 : memref<16x2048xf32, #tpu.memory_space<vmem>>) dst(%dma_wait3A_278 : memref<16x2048xf32, #tpu.memory_space<hbm>>)
    %add3A_279 = arith.constant 80 : i32
    %add3A_280 = arith.addi %mul3A_2, %add3A_279 : i32
    %dma_start3A_281 = arith.constant 0 : i32
    %dma_start3A_282 = tpu.memref_slice %arg2[%add3A_280, %dma_start3A_281] : memref<8192x2048xf32, #tpu.memory_space<hbm>> -> memref<16x2048xf32, #tpu.memory_space<hbm>>
    %dma_start3A_283 = arith.constant 0 : i32
    %dma_start3A_284 = tpu.memref_slice %arg2[%add3A_280, %dma_start3A_283] : memref<8192x2048xf32, #tpu.memory_space<hbm>> -> memref<16x2048xf32, #tpu.memory_space<hbm>>
    tpu.enqueue_dma source(%dma_start3A_284 : memref<16x2048xf32, #tpu.memory_space<hbm>>) target(%arg6 : memref<16x2048xf32, #tpu.memory_space<vmem>>) target_semaphore(%arg9 : memref<!tpu.dma_semaphore, #tpu.memory_space<semaphore_mem>>)
    %add3A_285 = arith.constant 64 : i32
    %add3A_286 = arith.addi %mul3A_2, %add3A_285 : i32
    %dma_start3A_287 = arith.constant 0 : i32
    %dma_start3A_288 = arith.constant 0 : i32
    %dma_start3A_289 = tpu.memref_slice %arg3[%dma_start3A_287, %add3A_286, %dma_start3A_288] : memref<4x4096x2048xf32, #tpu.memory_space<hbm>> -> memref<1x16x2048xf32, #tpu.memory_space<hbm>>
    %dma_start3A_290 = tpu.memref_squeeze %dma_start3A_289 : memref<1x16x2048xf32, #tpu.memory_space<hbm>> -> memref<16x2048xf32, #tpu.memory_space<hbm>>
    %dma_start3A_291 = arith.constant 0 : i32
    %dma_start3A_292 = tpu.memref_slice %arg3[%dma_start3A_287, %add3A_286, %dma_start3A_291] : memref<4x4096x2048xf32, #tpu.memory_space<hbm>> -> memref<1x16x2048xf32, #tpu.memory_space<hbm>>
    %dma_start3A_293 = tpu.memref_squeeze %dma_start3A_292 : memref<1x16x2048xf32, #tpu.memory_space<hbm>> -> memref<16x2048xf32, #tpu.memory_space<hbm>>
    tpu.enqueue_dma source(%arg5 : memref<16x2048xf32, #tpu.memory_space<vmem>>) target(%dma_start3A_293 : memref<16x2048xf32, #tpu.memory_space<hbm>>) target_semaphore(%arg11 : memref<!tpu.dma_semaphore, #tpu.memory_space<semaphore_mem>>)
    %add3A_294 = arith.constant 64 : i32
    %add3A_295 = arith.addi %mul3A_2, %add3A_294 : i32
    %dma_start3A_296 = arith.constant 1 : i32
    %dma_start3A_297 = arith.constant 0 : i32
    %dma_start3A_298 = tpu.memref_slice %arg3[%dma_start3A_296, %add3A_295, %dma_start3A_297] : memref<4x4096x2048xf32, #tpu.memory_space<hbm>> -> memref<1x16x2048xf32, #tpu.memory_space<hbm>>
    %dma_start3A_299 = tpu.memref_squeeze %dma_start3A_298 : memref<1x16x2048xf32, #tpu.memory_space<hbm>> -> memref<16x2048xf32, #tpu.memory_space<hbm>>
    %dma_start3A_300 = arith.constant 0 : i32
    %dma_start3A_301 = tpu.memref_slice %arg3[%dma_start3A_296, %add3A_295, %dma_start3A_300] : memref<4x4096x2048xf32, #tpu.memory_space<hbm>> -> memref<1x16x2048xf32, #tpu.memory_space<hbm>>
    %dma_start3A_302 = tpu.memref_squeeze %dma_start3A_301 : memref<1x16x2048xf32, #tpu.memory_space<hbm>> -> memref<16x2048xf32, #tpu.memory_space<hbm>>
    tpu.enqueue_dma source(%arg5 : memref<16x2048xf32, #tpu.memory_space<vmem>>) target(%dma_start3A_302 : memref<16x2048xf32, #tpu.memory_space<hbm>>) target_semaphore(%arg11 : memref<!tpu.dma_semaphore, #tpu.memory_space<semaphore_mem>>)
    %add3A_303 = arith.constant 64 : i32
    %add3A_304 = arith.addi %mul3A_2, %add3A_303 : i32
    %dma_start3A_305 = arith.constant 2 : i32
    %dma_start3A_306 = arith.constant 0 : i32
    %dma_start3A_307 = tpu.memref_slice %arg3[%dma_start3A_305, %add3A_304, %dma_start3A_306] : memref<4x4096x2048xf32, #tpu.memory_space<hbm>> -> memref<1x16x2048xf32, #tpu.memory_space<hbm>>
    %dma_start3A_308 = tpu.memref_squeeze %dma_start3A_307 : memref<1x16x2048xf32, #tpu.memory_space<hbm>> -> memref<16x2048xf32, #tpu.memory_space<hbm>>
    %dma_start3A_309 = arith.constant 0 : i32
    %dma_start3A_310 = tpu.memref_slice %arg3[%dma_start3A_305, %add3A_304, %dma_start3A_309] : memref<4x4096x2048xf32, #tpu.memory_space<hbm>> -> memref<1x16x2048xf32, #tpu.memory_space<hbm>>
    %dma_start3A_311 = tpu.memref_squeeze %dma_start3A_310 : memref<1x16x2048xf32, #tpu.memory_space<hbm>> -> memref<16x2048xf32, #tpu.memory_space<hbm>>
    tpu.enqueue_dma source(%arg5 : memref<16x2048xf32, #tpu.memory_space<vmem>>) target(%dma_start3A_311 : memref<16x2048xf32, #tpu.memory_space<hbm>>) target_semaphore(%arg11 : memref<!tpu.dma_semaphore, #tpu.memory_space<semaphore_mem>>)
    %add3A_312 = arith.constant 64 : i32
    %add3A_313 = arith.addi %mul3A_2, %add3A_312 : i32
    %dma_start3A_314 = arith.constant 3 : i32
    %dma_start3A_315 = arith.constant 0 : i32
    %dma_start3A_316 = tpu.memref_slice %arg3[%dma_start3A_314, %add3A_313, %dma_start3A_315] : memref<4x4096x2048xf32, #tpu.memory_space<hbm>> -> memref<1x16x2048xf32, #tpu.memory_space<hbm>>
    %dma_start3A_317 = tpu.memref_squeeze %dma_start3A_316 : memref<1x16x2048xf32, #tpu.memory_space<hbm>> -> memref<16x2048xf32, #tpu.memory_space<hbm>>
    %dma_start3A_318 = arith.constant 0 : i32
    %dma_start3A_319 = tpu.memref_slice %arg3[%dma_start3A_314, %add3A_313, %dma_start3A_318] : memref<4x4096x2048xf32, #tpu.memory_space<hbm>> -> memref<1x16x2048xf32, #tpu.memory_space<hbm>>
    %dma_start3A_320 = tpu.memref_squeeze %dma_start3A_319 : memref<1x16x2048xf32, #tpu.memory_space<hbm>> -> memref<16x2048xf32, #tpu.memory_space<hbm>>
    tpu.enqueue_dma source(%arg5 : memref<16x2048xf32, #tpu.memory_space<vmem>>) target(%dma_start3A_320 : memref<16x2048xf32, #tpu.memory_space<hbm>>) target_semaphore(%arg11 : memref<!tpu.dma_semaphore, #tpu.memory_space<semaphore_mem>>)
    %dma_wait3A_321 = arith.constant 0 : i32
    %dma_wait3A_322 = tpu.memref_slice %arg2[%add3A_280, %dma_wait3A_321] : memref<8192x2048xf32, #tpu.memory_space<hbm>> -> memref<16x2048xf32, #tpu.memory_space<hbm>>
    %dma_wait3A_323 = arith.constant 0 : i32
    %dma_wait3A_324 = tpu.memref_slice %arg2[%add3A_280, %dma_wait3A_323] : memref<8192x2048xf32, #tpu.memory_space<hbm>> -> memref<16x2048xf32, #tpu.memory_space<hbm>>
    tpu.wait_dma2 semaphore(%arg9 : memref<!tpu.dma_semaphore, #tpu.memory_space<semaphore_mem>>) src(%dma_wait3A_324 : memref<16x2048xf32, #tpu.memory_space<hbm>>) dst(%arg6 : memref<16x2048xf32, #tpu.memory_space<vmem>>)
    %dma_wait3A_325 = arith.constant 0 : i32
    %dma_wait3A_326 = arith.constant 0 : i32
    %dma_wait3A_327 = tpu.memref_slice %arg3[%dma_wait3A_325, %add3A_212, %dma_wait3A_326] : memref<4x4096x2048xf32, #tpu.memory_space<hbm>> -> memref<1x16x2048xf32, #tpu.memory_space<hbm>>
    %dma_wait3A_328 = tpu.memref_squeeze %dma_wait3A_327 : memref<1x16x2048xf32, #tpu.memory_space<hbm>> -> memref<16x2048xf32, #tpu.memory_space<hbm>>
    %dma_wait3A_329 = arith.constant 0 : i32
    %dma_wait3A_330 = tpu.memref_slice %arg3[%dma_wait3A_325, %add3A_212, %dma_wait3A_329] : memref<4x4096x2048xf32, #tpu.memory_space<hbm>> -> memref<1x16x2048xf32, #tpu.memory_space<hbm>>
    %dma_wait3A_331 = tpu.memref_squeeze %dma_wait3A_330 : memref<1x16x2048xf32, #tpu.memory_space<hbm>> -> memref<16x2048xf32, #tpu.memory_space<hbm>>
    tpu.wait_dma2 semaphore(%arg10 : memref<!tpu.dma_semaphore, #tpu.memory_space<semaphore_mem>>) src(%arg4 : memref<16x2048xf32, #tpu.memory_space<vmem>>) dst(%dma_wait3A_331 : memref<16x2048xf32, #tpu.memory_space<hbm>>)
    %dma_wait3A_332 = arith.constant 1 : i32
    %dma_wait3A_333 = arith.constant 0 : i32
    %dma_wait3A_334 = tpu.memref_slice %arg3[%dma_wait3A_332, %add3A_221, %dma_wait3A_333] : memref<4x4096x2048xf32, #tpu.memory_space<hbm>> -> memref<1x16x2048xf32, #tpu.memory_space<hbm>>
    %dma_wait3A_335 = tpu.memref_squeeze %dma_wait3A_334 : memref<1x16x2048xf32, #tpu.memory_space<hbm>> -> memref<16x2048xf32, #tpu.memory_space<hbm>>
    %dma_wait3A_336 = arith.constant 0 : i32
    %dma_wait3A_337 = tpu.memref_slice %arg3[%dma_wait3A_332, %add3A_221, %dma_wait3A_336] : memref<4x4096x2048xf32, #tpu.memory_space<hbm>> -> memref<1x16x2048xf32, #tpu.memory_space<hbm>>
    %dma_wait3A_338 = tpu.memref_squeeze %dma_wait3A_337 : memref<1x16x2048xf32, #tpu.memory_space<hbm>> -> memref<16x2048xf32, #tpu.memory_space<hbm>>
    tpu.wait_dma2 semaphore(%arg10 : memref<!tpu.dma_semaphore, #tpu.memory_space<semaphore_mem>>) src(%arg4 : memref<16x2048xf32, #tpu.memory_space<vmem>>) dst(%dma_wait3A_338 : memref<16x2048xf32, #tpu.memory_space<hbm>>)
    %dma_wait3A_339 = arith.constant 2 : i32
    %dma_wait3A_340 = arith.constant 0 : i32
    %dma_wait3A_341 = tpu.memref_slice %arg3[%dma_wait3A_339, %add3A_230, %dma_wait3A_340] : memref<4x4096x2048xf32, #tpu.memory_space<hbm>> -> memref<1x16x2048xf32, #tpu.memory_space<hbm>>
    %dma_wait3A_342 = tpu.memref_squeeze %dma_wait3A_341 : memref<1x16x2048xf32, #tpu.memory_space<hbm>> -> memref<16x2048xf32, #tpu.memory_space<hbm>>
    %dma_wait3A_343 = arith.constant 0 : i32
    %dma_wait3A_344 = tpu.memref_slice %arg3[%dma_wait3A_339, %add3A_230, %dma_wait3A_343] : memref<4x4096x2048xf32, #tpu.memory_space<hbm>> -> memref<1x16x2048xf32, #tpu.memory_space<hbm>>
    %dma_wait3A_345 = tpu.memref_squeeze %dma_wait3A_344 : memref<1x16x2048xf32, #tpu.memory_space<hbm>> -> memref<16x2048xf32, #tpu.memory_space<hbm>>
    tpu.wait_dma2 semaphore(%arg10 : memref<!tpu.dma_semaphore, #tpu.memory_space<semaphore_mem>>) src(%arg4 : memref<16x2048xf32, #tpu.memory_space<vmem>>) dst(%dma_wait3A_345 : memref<16x2048xf32, #tpu.memory_space<hbm>>)
    %dma_wait3A_346 = arith.constant 3 : i32
    %dma_wait3A_347 = arith.constant 0 : i32
    %dma_wait3A_348 = tpu.memref_slice %arg3[%dma_wait3A_346, %add3A_239, %dma_wait3A_347] : memref<4x4096x2048xf32, #tpu.memory_space<hbm>> -> memref<1x16x2048xf32, #tpu.memory_space<hbm>>
    %dma_wait3A_349 = tpu.memref_squeeze %dma_wait3A_348 : memref<1x16x2048xf32, #tpu.memory_space<hbm>> -> memref<16x2048xf32, #tpu.memory_space<hbm>>
    %dma_wait3A_350 = arith.constant 0 : i32
    %dma_wait3A_351 = tpu.memref_slice %arg3[%dma_wait3A_346, %add3A_239, %dma_wait3A_350] : memref<4x4096x2048xf32, #tpu.memory_space<hbm>> -> memref<1x16x2048xf32, #tpu.memory_space<hbm>>
    %dma_wait3A_352 = tpu.memref_squeeze %dma_wait3A_351 : memref<1x16x2048xf32, #tpu.memory_space<hbm>> -> memref<16x2048xf32, #tpu.memory_space<hbm>>
    tpu.wait_dma2 semaphore(%arg10 : memref<!tpu.dma_semaphore, #tpu.memory_space<semaphore_mem>>) src(%arg4 : memref<16x2048xf32, #tpu.memory_space<vmem>>) dst(%dma_wait3A_352 : memref<16x2048xf32, #tpu.memory_space<hbm>>)
    %add3A_353 = arith.constant 96 : i32
    %add3A_354 = arith.addi %mul3A_2, %add3A_353 : i32
    %dma_start3A_355 = arith.constant 0 : i32
    %dma_start3A_356 = tpu.memref_slice %arg2[%add3A_354, %dma_start3A_355] : memref<8192x2048xf32, #tpu.memory_space<hbm>> -> memref<16x2048xf32, #tpu.memory_space<hbm>>
    %dma_start3A_357 = arith.constant 0 : i32
    %dma_start3A_358 = tpu.memref_slice %arg2[%add3A_354, %dma_start3A_357] : memref<8192x2048xf32, #tpu.memory_space<hbm>> -> memref<16x2048xf32, #tpu.memory_space<hbm>>
    tpu.enqueue_dma source(%dma_start3A_358 : memref<16x2048xf32, #tpu.memory_space<hbm>>) target(%arg4 : memref<16x2048xf32, #tpu.memory_space<vmem>>) target_semaphore(%arg7 : memref<!tpu.dma_semaphore, #tpu.memory_space<semaphore_mem>>)
    %add3A_359 = arith.constant 80 : i32
    %add3A_360 = arith.addi %mul3A_2, %add3A_359 : i32
    %dma_start3A_361 = arith.constant 0 : i32
    %dma_start3A_362 = arith.constant 0 : i32
    %dma_start3A_363 = tpu.memref_slice %arg3[%dma_start3A_361, %add3A_360, %dma_start3A_362] : memref<4x4096x2048xf32, #tpu.memory_space<hbm>> -> memref<1x16x2048xf32, #tpu.memory_space<hbm>>
    %dma_start3A_364 = tpu.memref_squeeze %dma_start3A_363 : memref<1x16x2048xf32, #tpu.memory_space<hbm>> -> memref<16x2048xf32, #tpu.memory_space<hbm>>
    %dma_start3A_365 = arith.constant 0 : i32
    %dma_start3A_366 = tpu.memref_slice %arg3[%dma_start3A_361, %add3A_360, %dma_start3A_365] : memref<4x4096x2048xf32, #tpu.memory_space<hbm>> -> memref<1x16x2048xf32, #tpu.memory_space<hbm>>
    %dma_start3A_367 = tpu.memref_squeeze %dma_start3A_366 : memref<1x16x2048xf32, #tpu.memory_space<hbm>> -> memref<16x2048xf32, #tpu.memory_space<hbm>>
    tpu.enqueue_dma source(%arg6 : memref<16x2048xf32, #tpu.memory_space<vmem>>) target(%dma_start3A_367 : memref<16x2048xf32, #tpu.memory_space<hbm>>) target_semaphore(%arg12 : memref<!tpu.dma_semaphore, #tpu.memory_space<semaphore_mem>>)
    %add3A_368 = arith.constant 80 : i32
    %add3A_369 = arith.addi %mul3A_2, %add3A_368 : i32
    %dma_start3A_370 = arith.constant 1 : i32
    %dma_start3A_371 = arith.constant 0 : i32
    %dma_start3A_372 = tpu.memref_slice %arg3[%dma_start3A_370, %add3A_369, %dma_start3A_371] : memref<4x4096x2048xf32, #tpu.memory_space<hbm>> -> memref<1x16x2048xf32, #tpu.memory_space<hbm>>
    %dma_start3A_373 = tpu.memref_squeeze %dma_start3A_372 : memref<1x16x2048xf32, #tpu.memory_space<hbm>> -> memref<16x2048xf32, #tpu.memory_space<hbm>>
    %dma_start3A_374 = arith.constant 0 : i32
    %dma_start3A_375 = tpu.memref_slice %arg3[%dma_start3A_370, %add3A_369, %dma_start3A_374] : memref<4x4096x2048xf32, #tpu.memory_space<hbm>> -> memref<1x16x2048xf32, #tpu.memory_space<hbm>>
    %dma_start3A_376 = tpu.memref_squeeze %dma_start3A_375 : memref<1x16x2048xf32, #tpu.memory_space<hbm>> -> memref<16x2048xf32, #tpu.memory_space<hbm>>
    tpu.enqueue_dma source(%arg6 : memref<16x2048xf32, #tpu.memory_space<vmem>>) target(%dma_start3A_376 : memref<16x2048xf32, #tpu.memory_space<hbm>>) target_semaphore(%arg12 : memref<!tpu.dma_semaphore, #tpu.memory_space<semaphore_mem>>)
    %add3A_377 = arith.constant 80 : i32
    %add3A_378 = arith.addi %mul3A_2, %add3A_377 : i32
    %dma_start3A_379 = arith.constant 2 : i32
    %dma_start3A_380 = arith.constant 0 : i32
    %dma_start3A_381 = tpu.memref_slice %arg3[%dma_start3A_379, %add3A_378, %dma_start3A_380] : memref<4x4096x2048xf32, #tpu.memory_space<hbm>> -> memref<1x16x2048xf32, #tpu.memory_space<hbm>>
    %dma_start3A_382 = tpu.memref_squeeze %dma_start3A_381 : memref<1x16x2048xf32, #tpu.memory_space<hbm>> -> memref<16x2048xf32, #tpu.memory_space<hbm>>
    %dma_start3A_383 = arith.constant 0 : i32
    %dma_start3A_384 = tpu.memref_slice %arg3[%dma_start3A_379, %add3A_378, %dma_start3A_383] : memref<4x4096x2048xf32, #tpu.memory_space<hbm>> -> memref<1x16x2048xf32, #tpu.memory_space<hbm>>
    %dma_start3A_385 = tpu.memref_squeeze %dma_start3A_384 : memref<1x16x2048xf32, #tpu.memory_space<hbm>> -> memref<16x2048xf32, #tpu.memory_space<hbm>>
    tpu.enqueue_dma source(%arg6 : memref<16x2048xf32, #tpu.memory_space<vmem>>) target(%dma_start3A_385 : memref<16x2048xf32, #tpu.memory_space<hbm>>) target_semaphore(%arg12 : memref<!tpu.dma_semaphore, #tpu.memory_space<semaphore_mem>>)
    %add3A_386 = arith.constant 80 : i32
    %add3A_387 = arith.addi %mul3A_2, %add3A_386 : i32
    %dma_start3A_388 = arith.constant 3 : i32
    %dma_start3A_389 = arith.constant 0 : i32
    %dma_start3A_390 = tpu.memref_slice %arg3[%dma_start3A_388, %add3A_387, %dma_start3A_389] : memref<4x4096x2048xf32, #tpu.memory_space<hbm>> -> memref<1x16x2048xf32, #tpu.memory_space<hbm>>
    %dma_start3A_391 = tpu.memref_squeeze %dma_start3A_390 : memref<1x16x2048xf32, #tpu.memory_space<hbm>> -> memref<16x2048xf32, #tpu.memory_space<hbm>>
    %dma_start3A_392 = arith.constant 0 : i32
    %dma_start3A_393 = tpu.memref_slice %arg3[%dma_start3A_388, %add3A_387, %dma_start3A_392] : memref<4x4096x2048xf32, #tpu.memory_space<hbm>> -> memref<1x16x2048xf32, #tpu.memory_space<hbm>>
    %dma_start3A_394 = tpu.memref_squeeze %dma_start3A_393 : memref<1x16x2048xf32, #tpu.memory_space<hbm>> -> memref<16x2048xf32, #tpu.memory_space<hbm>>
    tpu.enqueue_dma source(%arg6 : memref<16x2048xf32, #tpu.memory_space<vmem>>) target(%dma_start3A_394 : memref<16x2048xf32, #tpu.memory_space<hbm>>) target_semaphore(%arg12 : memref<!tpu.dma_semaphore, #tpu.memory_space<semaphore_mem>>)
    %dma_wait3A_395 = arith.constant 0 : i32
    %dma_wait3A_396 = tpu.memref_slice %arg2[%add3A_354, %dma_wait3A_395] : memref<8192x2048xf32, #tpu.memory_space<hbm>> -> memref<16x2048xf32, #tpu.memory_space<hbm>>
    %dma_wait3A_397 = arith.constant 0 : i32
    %dma_wait3A_398 = tpu.memref_slice %arg2[%add3A_354, %dma_wait3A_397] : memref<8192x2048xf32, #tpu.memory_space<hbm>> -> memref<16x2048xf32, #tpu.memory_space<hbm>>
    tpu.wait_dma2 semaphore(%arg7 : memref<!tpu.dma_semaphore, #tpu.memory_space<semaphore_mem>>) src(%dma_wait3A_398 : memref<16x2048xf32, #tpu.memory_space<hbm>>) dst(%arg4 : memref<16x2048xf32, #tpu.memory_space<vmem>>)
    %dma_wait3A_399 = arith.constant 0 : i32
    %dma_wait3A_400 = arith.constant 0 : i32
    %dma_wait3A_401 = tpu.memref_slice %arg3[%dma_wait3A_399, %add3A_286, %dma_wait3A_400] : memref<4x4096x2048xf32, #tpu.memory_space<hbm>> -> memref<1x16x2048xf32, #tpu.memory_space<hbm>>
    %dma_wait3A_402 = tpu.memref_squeeze %dma_wait3A_401 : memref<1x16x2048xf32, #tpu.memory_space<hbm>> -> memref<16x2048xf32, #tpu.memory_space<hbm>>
    %dma_wait3A_403 = arith.constant 0 : i32
    %dma_wait3A_404 = tpu.memref_slice %arg3[%dma_wait3A_399, %add3A_286, %dma_wait3A_403] : memref<4x4096x2048xf32, #tpu.memory_space<hbm>> -> memref<1x16x2048xf32, #tpu.memory_space<hbm>>
    %dma_wait3A_405 = tpu.memref_squeeze %dma_wait3A_404 : memref<1x16x2048xf32, #tpu.memory_space<hbm>> -> memref<16x2048xf32, #tpu.memory_space<hbm>>
    tpu.wait_dma2 semaphore(%arg11 : memref<!tpu.dma_semaphore, #tpu.memory_space<semaphore_mem>>) src(%arg5 : memref<16x2048xf32, #tpu.memory_space<vmem>>) dst(%dma_wait3A_405 : memref<16x2048xf32, #tpu.memory_space<hbm>>)
    %dma_wait3A_406 = arith.constant 1 : i32
    %dma_wait3A_407 = arith.constant 0 : i32
    %dma_wait3A_408 = tpu.memref_slice %arg3[%dma_wait3A_406, %add3A_295, %dma_wait3A_407] : memref<4x4096x2048xf32, #tpu.memory_space<hbm>> -> memref<1x16x2048xf32, #tpu.memory_space<hbm>>
    %dma_wait3A_409 = tpu.memref_squeeze %dma_wait3A_408 : memref<1x16x2048xf32, #tpu.memory_space<hbm>> -> memref<16x2048xf32, #tpu.memory_space<hbm>>
    %dma_wait3A_410 = arith.constant 0 : i32
    %dma_wait3A_411 = tpu.memref_slice %arg3[%dma_wait3A_406, %add3A_295, %dma_wait3A_410] : memref<4x4096x2048xf32, #tpu.memory_space<hbm>> -> memref<1x16x2048xf32, #tpu.memory_space<hbm>>
    %dma_wait3A_412 = tpu.memref_squeeze %dma_wait3A_411 : memref<1x16x2048xf32, #tpu.memory_space<hbm>> -> memref<16x2048xf32, #tpu.memory_space<hbm>>
    tpu.wait_dma2 semaphore(%arg11 : memref<!tpu.dma_semaphore, #tpu.memory_space<semaphore_mem>>) src(%arg5 : memref<16x2048xf32, #tpu.memory_space<vmem>>) dst(%dma_wait3A_412 : memref<16x2048xf32, #tpu.memory_space<hbm>>)
    %dma_wait3A_413 = arith.constant 2 : i32
    %dma_wait3A_414 = arith.constant 0 : i32
    %dma_wait3A_415 = tpu.memref_slice %arg3[%dma_wait3A_413, %add3A_304, %dma_wait3A_414] : memref<4x4096x2048xf32, #tpu.memory_space<hbm>> -> memref<1x16x2048xf32, #tpu.memory_space<hbm>>
    %dma_wait3A_416 = tpu.memref_squeeze %dma_wait3A_415 : memref<1x16x2048xf32, #tpu.memory_space<hbm>> -> memref<16x2048xf32, #tpu.memory_space<hbm>>
    %dma_wait3A_417 = arith.constant 0 : i32
    %dma_wait3A_418 = tpu.memref_slice %arg3[%dma_wait3A_413, %add3A_304, %dma_wait3A_417] : memref<4x4096x2048xf32, #tpu.memory_space<hbm>> -> memref<1x16x2048xf32, #tpu.memory_space<hbm>>
    %dma_wait3A_419 = tpu.memref_squeeze %dma_wait3A_418 : memref<1x16x2048xf32, #tpu.memory_space<hbm>> -> memref<16x2048xf32, #tpu.memory_space<hbm>>
    tpu.wait_dma2 semaphore(%arg11 : memref<!tpu.dma_semaphore, #tpu.memory_space<semaphore_mem>>) src(%arg5 : memref<16x2048xf32, #tpu.memory_space<vmem>>) dst(%dma_wait3A_419 : memref<16x2048xf32, #tpu.memory_space<hbm>>)
    %dma_wait3A_420 = arith.constant 3 : i32
    %dma_wait3A_421 = arith.constant 0 : i32
    %dma_wait3A_422 = tpu.memref_slice %arg3[%dma_wait3A_420, %add3A_313, %dma_wait3A_421] : memref<4x4096x2048xf32, #tpu.memory_space<hbm>> -> memref<1x16x2048xf32, #tpu.memory_space<hbm>>
    %dma_wait3A_423 = tpu.memref_squeeze %dma_wait3A_422 : memref<1x16x2048xf32, #tpu.memory_space<hbm>> -> memref<16x2048xf32, #tpu.memory_space<hbm>>
    %dma_wait3A_424 = arith.constant 0 : i32
    %dma_wait3A_425 = tpu.memref_slice %arg3[%dma_wait3A_420, %add3A_313, %dma_wait3A_424] : memref<4x4096x2048xf32, #tpu.memory_space<hbm>> -> memref<1x16x2048xf32, #tpu.memory_space<hbm>>
    %dma_wait3A_426 = tpu.memref_squeeze %dma_wait3A_425 : memref<1x16x2048xf32, #tpu.memory_space<hbm>> -> memref<16x2048xf32, #tpu.memory_space<hbm>>
    tpu.wait_dma2 semaphore(%arg11 : memref<!tpu.dma_semaphore, #tpu.memory_space<semaphore_mem>>) src(%arg5 : memref<16x2048xf32, #tpu.memory_space<vmem>>) dst(%dma_wait3A_426 : memref<16x2048xf32, #tpu.memory_space<hbm>>)
    %add3A_427 = arith.constant 112 : i32
    %add3A_428 = arith.addi %mul3A_2, %add3A_427 : i32
    %dma_start3A_429 = arith.constant 0 : i32
    %dma_start3A_430 = tpu.memref_slice %arg2[%add3A_428, %dma_start3A_429] : memref<8192x2048xf32, #tpu.memory_space<hbm>> -> memref<16x2048xf32, #tpu.memory_space<hbm>>
    %dma_start3A_431 = arith.constant 0 : i32
    %dma_start3A_432 = tpu.memref_slice %arg2[%add3A_428, %dma_start3A_431] : memref<8192x2048xf32, #tpu.memory_space<hbm>> -> memref<16x2048xf32, #tpu.memory_space<hbm>>
    tpu.enqueue_dma source(%dma_start3A_432 : memref<16x2048xf32, #tpu.memory_space<hbm>>) target(%arg5 : memref<16x2048xf32, #tpu.memory_space<vmem>>) target_semaphore(%arg8 : memref<!tpu.dma_semaphore, #tpu.memory_space<semaphore_mem>>)
    %add3A_433 = arith.constant 96 : i32
    %add3A_434 = arith.addi %mul3A_2, %add3A_433 : i32
    %dma_start3A_435 = arith.constant 0 : i32
    %dma_start3A_436 = arith.constant 0 : i32
    %dma_start3A_437 = tpu.memref_slice %arg3[%dma_start3A_435, %add3A_434, %dma_start3A_436] : memref<4x4096x2048xf32, #tpu.memory_space<hbm>> -> memref<1x16x2048xf32, #tpu.memory_space<hbm>>
    %dma_start3A_438 = tpu.memref_squeeze %dma_start3A_437 : memref<1x16x2048xf32, #tpu.memory_space<hbm>> -> memref<16x2048xf32, #tpu.memory_space<hbm>>
    %dma_start3A_439 = arith.constant 0 : i32
    %dma_start3A_440 = tpu.memref_slice %arg3[%dma_start3A_435, %add3A_434, %dma_start3A_439] : memref<4x4096x2048xf32, #tpu.memory_space<hbm>> -> memref<1x16x2048xf32, #tpu.memory_space<hbm>>
    %dma_start3A_441 = tpu.memref_squeeze %dma_start3A_440 : memref<1x16x2048xf32, #tpu.memory_space<hbm>> -> memref<16x2048xf32, #tpu.memory_space<hbm>>
    tpu.enqueue_dma source(%arg4 : memref<16x2048xf32, #tpu.memory_space<vmem>>) target(%dma_start3A_441 : memref<16x2048xf32, #tpu.memory_space<hbm>>) target_semaphore(%arg10 : memref<!tpu.dma_semaphore, #tpu.memory_space<semaphore_mem>>)
    %add3A_442 = arith.constant 96 : i32
    %add3A_443 = arith.addi %mul3A_2, %add3A_442 : i32
    %dma_start3A_444 = arith.constant 1 : i32
    %dma_start3A_445 = arith.constant 0 : i32
    %dma_start3A_446 = tpu.memref_slice %arg3[%dma_start3A_444, %add3A_443, %dma_start3A_445] : memref<4x4096x2048xf32, #tpu.memory_space<hbm>> -> memref<1x16x2048xf32, #tpu.memory_space<hbm>>
    %dma_start3A_447 = tpu.memref_squeeze %dma_start3A_446 : memref<1x16x2048xf32, #tpu.memory_space<hbm>> -> memref<16x2048xf32, #tpu.memory_space<hbm>>
    %dma_start3A_448 = arith.constant 0 : i32
    %dma_start3A_449 = tpu.memref_slice %arg3[%dma_start3A_444, %add3A_443, %dma_start3A_448] : memref<4x4096x2048xf32, #tpu.memory_space<hbm>> -> memref<1x16x2048xf32, #tpu.memory_space<hbm>>
    %dma_start3A_450 = tpu.memref_squeeze %dma_start3A_449 : memref<1x16x2048xf32, #tpu.memory_space<hbm>> -> memref<16x2048xf32, #tpu.memory_space<hbm>>
    tpu.enqueue_dma source(%arg4 : memref<16x2048xf32, #tpu.memory_space<vmem>>) target(%dma_start3A_450 : memref<16x2048xf32, #tpu.memory_space<hbm>>) target_semaphore(%arg10 : memref<!tpu.dma_semaphore, #tpu.memory_space<semaphore_mem>>)
    %add3A_451 = arith.constant 96 : i32
    %add3A_452 = arith.addi %mul3A_2, %add3A_451 : i32
    %dma_start3A_453 = arith.constant 2 : i32
    %dma_start3A_454 = arith.constant 0 : i32
    %dma_start3A_455 = tpu.memref_slice %arg3[%dma_start3A_453, %add3A_452, %dma_start3A_454] : memref<4x4096x2048xf32, #tpu.memory_space<hbm>> -> memref<1x16x2048xf32, #tpu.memory_space<hbm>>
    %dma_start3A_456 = tpu.memref_squeeze %dma_start3A_455 : memref<1x16x2048xf32, #tpu.memory_space<hbm>> -> memref<16x2048xf32, #tpu.memory_space<hbm>>
    %dma_start3A_457 = arith.constant 0 : i32
    %dma_start3A_458 = tpu.memref_slice %arg3[%dma_start3A_453, %add3A_452, %dma_start3A_457] : memref<4x4096x2048xf32, #tpu.memory_space<hbm>> -> memref<1x16x2048xf32, #tpu.memory_space<hbm>>
    %dma_start3A_459 = tpu.memref_squeeze %dma_start3A_458 : memref<1x16x2048xf32, #tpu.memory_space<hbm>> -> memref<16x2048xf32, #tpu.memory_space<hbm>>
    tpu.enqueue_dma source(%arg4 : memref<16x2048xf32, #tpu.memory_space<vmem>>) target(%dma_start3A_459 : memref<16x2048xf32, #tpu.memory_space<hbm>>) target_semaphore(%arg10 : memref<!tpu.dma_semaphore, #tpu.memory_space<semaphore_mem>>)
    %add3A_460 = arith.constant 96 : i32
    %add3A_461 = arith.addi %mul3A_2, %add3A_460 : i32
    %dma_start3A_462 = arith.constant 3 : i32
    %dma_start3A_463 = arith.constant 0 : i32
    %dma_start3A_464 = tpu.memref_slice %arg3[%dma_start3A_462, %add3A_461, %dma_start3A_463] : memref<4x4096x2048xf32, #tpu.memory_space<hbm>> -> memref<1x16x2048xf32, #tpu.memory_space<hbm>>
    %dma_start3A_465 = tpu.memref_squeeze %dma_start3A_464 : memref<1x16x2048xf32, #tpu.memory_space<hbm>> -> memref<16x2048xf32, #tpu.memory_space<hbm>>
    %dma_start3A_466 = arith.constant 0 : i32
    %dma_start3A_467 = tpu.memref_slice %arg3[%dma_start3A_462, %add3A_461, %dma_start3A_466] : memref<4x4096x2048xf32, #tpu.memory_space<hbm>> -> memref<1x16x2048xf32, #tpu.memory_space<hbm>>
    %dma_start3A_468 = tpu.memref_squeeze %dma_start3A_467 : memref<1x16x2048xf32, #tpu.memory_space<hbm>> -> memref<16x2048xf32, #tpu.memory_space<hbm>>
    tpu.enqueue_dma source(%arg4 : memref<16x2048xf32, #tpu.memory_space<vmem>>) target(%dma_start3A_468 : memref<16x2048xf32, #tpu.memory_space<hbm>>) target_semaphore(%arg10 : memref<!tpu.dma_semaphore, #tpu.memory_space<semaphore_mem>>)
    %dma_wait3A_469 = arith.constant 0 : i32
    %dma_wait3A_470 = tpu.memref_slice %arg2[%add3A_428, %dma_wait3A_469] : memref<8192x2048xf32, #tpu.memory_space<hbm>> -> memref<16x2048xf32, #tpu.memory_space<hbm>>
    %dma_wait3A_471 = arith.constant 0 : i32
    %dma_wait3A_472 = tpu.memref_slice %arg2[%add3A_428, %dma_wait3A_471] : memref<8192x2048xf32, #tpu.memory_space<hbm>> -> memref<16x2048xf32, #tpu.memory_space<hbm>>
    tpu.wait_dma2 semaphore(%arg8 : memref<!tpu.dma_semaphore, #tpu.memory_space<semaphore_mem>>) src(%dma_wait3A_472 : memref<16x2048xf32, #tpu.memory_space<hbm>>) dst(%arg5 : memref<16x2048xf32, #tpu.memory_space<vmem>>)
    %dma_wait3A_473 = arith.constant 0 : i32
    %dma_wait3A_474 = arith.constant 0 : i32
    %dma_wait3A_475 = tpu.memref_slice %arg3[%dma_wait3A_473, %add3A_360, %dma_wait3A_474] : memref<4x4096x2048xf32, #tpu.memory_space<hbm>> -> memref<1x16x2048xf32, #tpu.memory_space<hbm>>
    %dma_wait3A_476 = tpu.memref_squeeze %dma_wait3A_475 : memref<1x16x2048xf32, #tpu.memory_space<hbm>> -> memref<16x2048xf32, #tpu.memory_space<hbm>>
    %dma_wait3A_477 = arith.constant 0 : i32
    %dma_wait3A_478 = tpu.memref_slice %arg3[%dma_wait3A_473, %add3A_360, %dma_wait3A_477] : memref<4x4096x2048xf32, #tpu.memory_space<hbm>> -> memref<1x16x2048xf32, #tpu.memory_space<hbm>>
    %dma_wait3A_479 = tpu.memref_squeeze %dma_wait3A_478 : memref<1x16x2048xf32, #tpu.memory_space<hbm>> -> memref<16x2048xf32, #tpu.memory_space<hbm>>
    tpu.wait_dma2 semaphore(%arg12 : memref<!tpu.dma_semaphore, #tpu.memory_space<semaphore_mem>>) src(%arg6 : memref<16x2048xf32, #tpu.memory_space<vmem>>) dst(%dma_wait3A_479 : memref<16x2048xf32, #tpu.memory_space<hbm>>)
    %dma_wait3A_480 = arith.constant 1 : i32
    %dma_wait3A_481 = arith.constant 0 : i32
    %dma_wait3A_482 = tpu.memref_slice %arg3[%dma_wait3A_480, %add3A_369, %dma_wait3A_481] : memref<4x4096x2048xf32, #tpu.memory_space<hbm>> -> memref<1x16x2048xf32, #tpu.memory_space<hbm>>
    %dma_wait3A_483 = tpu.memref_squeeze %dma_wait3A_482 : memref<1x16x2048xf32, #tpu.memory_space<hbm>> -> memref<16x2048xf32, #tpu.memory_space<hbm>>
    %dma_wait3A_484 = arith.constant 0 : i32
    %dma_wait3A_485 = tpu.memref_slice %arg3[%dma_wait3A_480, %add3A_369, %dma_wait3A_484] : memref<4x4096x2048xf32, #tpu.memory_space<hbm>> -> memref<1x16x2048xf32, #tpu.memory_space<hbm>>
    %dma_wait3A_486 = tpu.memref_squeeze %dma_wait3A_485 : memref<1x16x2048xf32, #tpu.memory_space<hbm>> -> memref<16x2048xf32, #tpu.memory_space<hbm>>
    tpu.wait_dma2 semaphore(%arg12 : memref<!tpu.dma_semaphore, #tpu.memory_space<semaphore_mem>>) src(%arg6 : memref<16x2048xf32, #tpu.memory_space<vmem>>) dst(%dma_wait3A_486 : memref<16x2048xf32, #tpu.memory_space<hbm>>)
    %dma_wait3A_487 = arith.constant 2 : i32
    %dma_wait3A_488 = arith.constant 0 : i32
    %dma_wait3A_489 = tpu.memref_slice %arg3[%dma_wait3A_487, %add3A_378, %dma_wait3A_488] : memref<4x4096x2048xf32, #tpu.memory_space<hbm>> -> memref<1x16x2048xf32, #tpu.memory_space<hbm>>
    %dma_wait3A_490 = tpu.memref_squeeze %dma_wait3A_489 : memref<1x16x2048xf32, #tpu.memory_space<hbm>> -> memref<16x2048xf32, #tpu.memory_space<hbm>>
    %dma_wait3A_491 = arith.constant 0 : i32
    %dma_wait3A_492 = tpu.memref_slice %arg3[%dma_wait3A_487, %add3A_378, %dma_wait3A_491] : memref<4x4096x2048xf32, #tpu.memory_space<hbm>> -> memref<1x16x2048xf32, #tpu.memory_space<hbm>>
    %dma_wait3A_493 = tpu.memref_squeeze %dma_wait3A_492 : memref<1x16x2048xf32, #tpu.memory_space<hbm>> -> memref<16x2048xf32, #tpu.memory_space<hbm>>
    tpu.wait_dma2 semaphore(%arg12 : memref<!tpu.dma_semaphore, #tpu.memory_space<semaphore_mem>>) src(%arg6 : memref<16x2048xf32, #tpu.memory_space<vmem>>) dst(%dma_wait3A_493 : memref<16x2048xf32, #tpu.memory_space<hbm>>)
    %dma_wait3A_494 = arith.constant 3 : i32
    %dma_wait3A_495 = arith.constant 0 : i32
    %dma_wait3A_496 = tpu.memref_slice %arg3[%dma_wait3A_494, %add3A_387, %dma_wait3A_495] : memref<4x4096x2048xf32, #tpu.memory_space<hbm>> -> memref<1x16x2048xf32, #tpu.memory_space<hbm>>
    %dma_wait3A_497 = tpu.memref_squeeze %dma_wait3A_496 : memref<1x16x2048xf32, #tpu.memory_space<hbm>> -> memref<16x2048xf32, #tpu.memory_space<hbm>>
    %dma_wait3A_498 = arith.constant 0 : i32
    %dma_wait3A_499 = tpu.memref_slice %arg3[%dma_wait3A_494, %add3A_387, %dma_wait3A_498] : memref<4x4096x2048xf32, #tpu.memory_space<hbm>> -> memref<1x16x2048xf32, #tpu.memory_space<hbm>>
    %dma_wait3A_500 = tpu.memref_squeeze %dma_wait3A_499 : memref<1x16x2048xf32, #tpu.memory_space<hbm>> -> memref<16x2048xf32, #tpu.memory_space<hbm>>
    tpu.wait_dma2 semaphore(%arg12 : memref<!tpu.dma_semaphore, #tpu.memory_space<semaphore_mem>>) src(%arg6 : memref<16x2048xf32, #tpu.memory_space<vmem>>) dst(%dma_wait3A_500 : memref<16x2048xf32, #tpu.memory_space<hbm>>)
    %add3A_501 = arith.constant 112 : i32
    %add3A_502 = arith.addi %mul3A_2, %add3A_501 : i32
    %dma_start3A_503 = arith.constant 0 : i32
    %dma_start3A_504 = arith.constant 0 : i32
    %dma_start3A_505 = tpu.memref_slice %arg3[%dma_start3A_503, %add3A_502, %dma_start3A_504] : memref<4x4096x2048xf32, #tpu.memory_space<hbm>> -> memref<1x16x2048xf32, #tpu.memory_space<hbm>>
    %dma_start3A_506 = tpu.memref_squeeze %dma_start3A_505 : memref<1x16x2048xf32, #tpu.memory_space<hbm>> -> memref<16x2048xf32, #tpu.memory_space<hbm>>
    %dma_start3A_507 = arith.constant 0 : i32
    %dma_start3A_508 = tpu.memref_slice %arg3[%dma_start3A_503, %add3A_502, %dma_start3A_507] : memref<4x4096x2048xf32, #tpu.memory_space<hbm>> -> memref<1x16x2048xf32, #tpu.memory_space<hbm>>
    %dma_start3A_509 = tpu.memref_squeeze %dma_start3A_508 : memref<1x16x2048xf32, #tpu.memory_space<hbm>> -> memref<16x2048xf32, #tpu.memory_space<hbm>>
    tpu.enqueue_dma source(%arg5 : memref<16x2048xf32, #tpu.memory_space<vmem>>) target(%dma_start3A_509 : memref<16x2048xf32, #tpu.memory_space<hbm>>) target_semaphore(%arg11 : memref<!tpu.dma_semaphore, #tpu.memory_space<semaphore_mem>>)
    %add3A_510 = arith.constant 112 : i32
    %add3A_511 = arith.addi %mul3A_2, %add3A_510 : i32
    %dma_start3A_512 = arith.constant 1 : i32
    %dma_start3A_513 = arith.constant 0 : i32
    %dma_start3A_514 = tpu.memref_slice %arg3[%dma_start3A_512, %add3A_511, %dma_start3A_513] : memref<4x4096x2048xf32, #tpu.memory_space<hbm>> -> memref<1x16x2048xf32, #tpu.memory_space<hbm>>
    %dma_start3A_515 = tpu.memref_squeeze %dma_start3A_514 : memref<1x16x2048xf32, #tpu.memory_space<hbm>> -> memref<16x2048xf32, #tpu.memory_space<hbm>>
    %dma_start3A_516 = arith.constant 0 : i32
    %dma_start3A_517 = tpu.memref_slice %arg3[%dma_start3A_512, %add3A_511, %dma_start3A_516] : memref<4x4096x2048xf32, #tpu.memory_space<hbm>> -> memref<1x16x2048xf32, #tpu.memory_space<hbm>>
    %dma_start3A_518 = tpu.memref_squeeze %dma_start3A_517 : memref<1x16x2048xf32, #tpu.memory_space<hbm>> -> memref<16x2048xf32, #tpu.memory_space<hbm>>
    tpu.enqueue_dma source(%arg5 : memref<16x2048xf32, #tpu.memory_space<vmem>>) target(%dma_start3A_518 : memref<16x2048xf32, #tpu.memory_space<hbm>>) target_semaphore(%arg11 : memref<!tpu.dma_semaphore, #tpu.memory_space<semaphore_mem>>)
    %add3A_519 = arith.constant 112 : i32
    %add3A_520 = arith.addi %mul3A_2, %add3A_519 : i32
    %dma_start3A_521 = arith.constant 2 : i32
    %dma_start3A_522 = arith.constant 0 : i32
    %dma_start3A_523 = tpu.memref_slice %arg3[%dma_start3A_521, %add3A_520, %dma_start3A_522] : memref<4x4096x2048xf32, #tpu.memory_space<hbm>> -> memref<1x16x2048xf32, #tpu.memory_space<hbm>>
    %dma_start3A_524 = tpu.memref_squeeze %dma_start3A_523 : memref<1x16x2048xf32, #tpu.memory_space<hbm>> -> memref<16x2048xf32, #tpu.memory_space<hbm>>
    %dma_start3A_525 = arith.constant 0 : i32
    %dma_start3A_526 = tpu.memref_slice %arg3[%dma_start3A_521, %add3A_520, %dma_start3A_525] : memref<4x4096x2048xf32, #tpu.memory_space<hbm>> -> memref<1x16x2048xf32, #tpu.memory_space<hbm>>
    %dma_start3A_527 = tpu.memref_squeeze %dma_start3A_526 : memref<1x16x2048xf32, #tpu.memory_space<hbm>> -> memref<16x2048xf32, #tpu.memory_space<hbm>>
    tpu.enqueue_dma source(%arg5 : memref<16x2048xf32, #tpu.memory_space<vmem>>) target(%dma_start3A_527 : memref<16x2048xf32, #tpu.memory_space<hbm>>) target_semaphore(%arg11 : memref<!tpu.dma_semaphore, #tpu.memory_space<semaphore_mem>>)
    %add3A_528 = arith.constant 112 : i32
    %add3A_529 = arith.addi %mul3A_2, %add3A_528 : i32
    %dma_start3A_530 = arith.constant 3 : i32
    %dma_start3A_531 = arith.constant 0 : i32
    %dma_start3A_532 = tpu.memref_slice %arg3[%dma_start3A_530, %add3A_529, %dma_start3A_531] : memref<4x4096x2048xf32, #tpu.memory_space<hbm>> -> memref<1x16x2048xf32, #tpu.memory_space<hbm>>
    %dma_start3A_533 = tpu.memref_squeeze %dma_start3A_532 : memref<1x16x2048xf32, #tpu.memory_space<hbm>> -> memref<16x2048xf32, #tpu.memory_space<hbm>>
    %dma_start3A_534 = arith.constant 0 : i32
    %dma_start3A_535 = tpu.memref_slice %arg3[%dma_start3A_530, %add3A_529, %dma_start3A_534] : memref<4x4096x2048xf32, #tpu.memory_space<hbm>> -> memref<1x16x2048xf32, #tpu.memory_space<hbm>>
    %dma_start3A_536 = tpu.memref_squeeze %dma_start3A_535 : memref<1x16x2048xf32, #tpu.memory_space<hbm>> -> memref<16x2048xf32, #tpu.memory_space<hbm>>
    tpu.enqueue_dma source(%arg5 : memref<16x2048xf32, #tpu.memory_space<vmem>>) target(%dma_start3A_536 : memref<16x2048xf32, #tpu.memory_space<hbm>>) target_semaphore(%arg11 : memref<!tpu.dma_semaphore, #tpu.memory_space<semaphore_mem>>)
    %dma_wait3A_537 = arith.constant 0 : i32
    %dma_wait3A_538 = arith.constant 0 : i32
    %dma_wait3A_539 = tpu.memref_slice %arg3[%dma_wait3A_537, %add3A_434, %dma_wait3A_538] : memref<4x4096x2048xf32, #tpu.memory_space<hbm>> -> memref<1x16x2048xf32, #tpu.memory_space<hbm>>
    %dma_wait3A_540 = tpu.memref_squeeze %dma_wait3A_539 : memref<1x16x2048xf32, #tpu.memory_space<hbm>> -> memref<16x2048xf32, #tpu.memory_space<hbm>>
    %dma_wait3A_541 = arith.constant 0 : i32
    %dma_wait3A_542 = tpu.memref_slice %arg3[%dma_wait3A_537, %add3A_434, %dma_wait3A_541] : memref<4x4096x2048xf32, #tpu.memory_space<hbm>> -> memref<1x16x2048xf32, #tpu.memory_space<hbm>>
    %dma_wait3A_543 = tpu.memref_squeeze %dma_wait3A_542 : memref<1x16x2048xf32, #tpu.memory_space<hbm>> -> memref<16x2048xf32, #tpu.memory_space<hbm>>
    tpu.wait_dma2 semaphore(%arg10 : memref<!tpu.dma_semaphore, #tpu.memory_space<semaphore_mem>>) src(%arg4 : memref<16x2048xf32, #tpu.memory_space<vmem>>) dst(%dma_wait3A_543 : memref<16x2048xf32, #tpu.memory_space<hbm>>)
    %dma_wait3A_544 = arith.constant 1 : i32
    %dma_wait3A_545 = arith.constant 0 : i32
    %dma_wait3A_546 = tpu.memref_slice %arg3[%dma_wait3A_544, %add3A_443, %dma_wait3A_545] : memref<4x4096x2048xf32, #tpu.memory_space<hbm>> -> memref<1x16x2048xf32, #tpu.memory_space<hbm>>
    %dma_wait3A_547 = tpu.memref_squeeze %dma_wait3A_546 : memref<1x16x2048xf32, #tpu.memory_space<hbm>> -> memref<16x2048xf32, #tpu.memory_space<hbm>>
    %dma_wait3A_548 = arith.constant 0 : i32
    %dma_wait3A_549 = tpu.memref_slice %arg3[%dma_wait3A_544, %add3A_443, %dma_wait3A_548] : memref<4x4096x2048xf32, #tpu.memory_space<hbm>> -> memref<1x16x2048xf32, #tpu.memory_space<hbm>>
    %dma_wait3A_550 = tpu.memref_squeeze %dma_wait3A_549 : memref<1x16x2048xf32, #tpu.memory_space<hbm>> -> memref<16x2048xf32, #tpu.memory_space<hbm>>
    tpu.wait_dma2 semaphore(%arg10 : memref<!tpu.dma_semaphore, #tpu.memory_space<semaphore_mem>>) src(%arg4 : memref<16x2048xf32, #tpu.memory_space<vmem>>) dst(%dma_wait3A_550 : memref<16x2048xf32, #tpu.memory_space<hbm>>)
    %dma_wait3A_551 = arith.constant 2 : i32
    %dma_wait3A_552 = arith.constant 0 : i32
    %dma_wait3A_553 = tpu.memref_slice %arg3[%dma_wait3A_551, %add3A_452, %dma_wait3A_552] : memref<4x4096x2048xf32, #tpu.memory_space<hbm>> -> memref<1x16x2048xf32, #tpu.memory_space<hbm>>
    %dma_wait3A_554 = tpu.memref_squeeze %dma_wait3A_553 : memref<1x16x2048xf32, #tpu.memory_space<hbm>> -> memref<16x2048xf32, #tpu.memory_space<hbm>>
    %dma_wait3A_555 = arith.constant 0 : i32
    %dma_wait3A_556 = tpu.memref_slice %arg3[%dma_wait3A_551, %add3A_452, %dma_wait3A_555] : memref<4x4096x2048xf32, #tpu.memory_space<hbm>> -> memref<1x16x2048xf32, #tpu.memory_space<hbm>>
    %dma_wait3A_557 = tpu.memref_squeeze %dma_wait3A_556 : memref<1x16x2048xf32, #tpu.memory_space<hbm>> -> memref<16x2048xf32, #tpu.memory_space<hbm>>
    tpu.wait_dma2 semaphore(%arg10 : memref<!tpu.dma_semaphore, #tpu.memory_space<semaphore_mem>>) src(%arg4 : memref<16x2048xf32, #tpu.memory_space<vmem>>) dst(%dma_wait3A_557 : memref<16x2048xf32, #tpu.memory_space<hbm>>)
    %dma_wait3A_558 = arith.constant 3 : i32
    %dma_wait3A_559 = arith.constant 0 : i32
    %dma_wait3A_560 = tpu.memref_slice %arg3[%dma_wait3A_558, %add3A_461, %dma_wait3A_559] : memref<4x4096x2048xf32, #tpu.memory_space<hbm>> -> memref<1x16x2048xf32, #tpu.memory_space<hbm>>
    %dma_wait3A_561 = tpu.memref_squeeze %dma_wait3A_560 : memref<1x16x2048xf32, #tpu.memory_space<hbm>> -> memref<16x2048xf32, #tpu.memory_space<hbm>>
    %dma_wait3A_562 = arith.constant 0 : i32
    %dma_wait3A_563 = tpu.memref_slice %arg3[%dma_wait3A_558, %add3A_461, %dma_wait3A_562] : memref<4x4096x2048xf32, #tpu.memory_space<hbm>> -> memref<1x16x2048xf32, #tpu.memory_space<hbm>>
    %dma_wait3A_564 = tpu.memref_squeeze %dma_wait3A_563 : memref<1x16x2048xf32, #tpu.memory_space<hbm>> -> memref<16x2048xf32, #tpu.memory_space<hbm>>
    tpu.wait_dma2 semaphore(%arg10 : memref<!tpu.dma_semaphore, #tpu.memory_space<semaphore_mem>>) src(%arg4 : memref<16x2048xf32, #tpu.memory_space<vmem>>) dst(%dma_wait3A_564 : memref<16x2048xf32, #tpu.memory_space<hbm>>)
    %dma_wait3A_565 = arith.constant 0 : i32
    %dma_wait3A_566 = arith.constant 0 : i32
    %dma_wait3A_567 = tpu.memref_slice %arg3[%dma_wait3A_565, %add3A_502, %dma_wait3A_566] : memref<4x4096x2048xf32, #tpu.memory_space<hbm>> -> memref<1x16x2048xf32, #tpu.memory_space<hbm>>
    %dma_wait3A_568 = tpu.memref_squeeze %dma_wait3A_567 : memref<1x16x2048xf32, #tpu.memory_space<hbm>> -> memref<16x2048xf32, #tpu.memory_space<hbm>>
    %dma_wait3A_569 = arith.constant 0 : i32
    %dma_wait3A_570 = tpu.memref_slice %arg3[%dma_wait3A_565, %add3A_502, %dma_wait3A_569] : memref<4x4096x2048xf32, #tpu.memory_space<hbm>> -> memref<1x16x2048xf32, #tpu.memory_space<hbm>>
    %dma_wait3A_571 = tpu.memref_squeeze %dma_wait3A_570 : memref<1x16x2048xf32, #tpu.memory_space<hbm>> -> memref<16x2048xf32, #tpu.memory_space<hbm>>
    tpu.wait_dma2 semaphore(%arg11 : memref<!tpu.dma_semaphore, #tpu.memory_space<semaphore_mem>>) src(%arg5 : memref<16x2048xf32, #tpu.memory_space<vmem>>) dst(%dma_wait3A_571 : memref<16x2048xf32, #tpu.memory_space<hbm>>)
    %dma_wait3A_572 = arith.constant 1 : i32
    %dma_wait3A_573 = arith.constant 0 : i32
    %dma_wait3A_574 = tpu.memref_slice %arg3[%dma_wait3A_572, %add3A_511, %dma_wait3A_573] : memref<4x4096x2048xf32, #tpu.memory_space<hbm>> -> memref<1x16x2048xf32, #tpu.memory_space<hbm>>
    %dma_wait3A_575 = tpu.memref_squeeze %dma_wait3A_574 : memref<1x16x2048xf32, #tpu.memory_space<hbm>> -> memref<16x2048xf32, #tpu.memory_space<hbm>>
    %dma_wait3A_576 = arith.constant 0 : i32
    %dma_wait3A_577 = tpu.memref_slice %arg3[%dma_wait3A_572, %add3A_511, %dma_wait3A_576] : memref<4x4096x2048xf32, #tpu.memory_space<hbm>> -> memref<1x16x2048xf32, #tpu.memory_space<hbm>>
    %dma_wait3A_578 = tpu.memref_squeeze %dma_wait3A_577 : memref<1x16x2048xf32, #tpu.memory_space<hbm>> -> memref<16x2048xf32, #tpu.memory_space<hbm>>
    tpu.wait_dma2 semaphore(%arg11 : memref<!tpu.dma_semaphore, #tpu.memory_space<semaphore_mem>>) src(%arg5 : memref<16x2048xf32, #tpu.memory_space<vmem>>) dst(%dma_wait3A_578 : memref<16x2048xf32, #tpu.memory_space<hbm>>)
    %dma_wait3A_579 = arith.constant 2 : i32
    %dma_wait3A_580 = arith.constant 0 : i32
    %dma_wait3A_581 = tpu.memref_slice %arg3[%dma_wait3A_579, %add3A_520, %dma_wait3A_580] : memref<4x4096x2048xf32, #tpu.memory_space<hbm>> -> memref<1x16x2048xf32, #tpu.memory_space<hbm>>
    %dma_wait3A_582 = tpu.memref_squeeze %dma_wait3A_581 : memref<1x16x2048xf32, #tpu.memory_space<hbm>> -> memref<16x2048xf32, #tpu.memory_space<hbm>>
    %dma_wait3A_583 = arith.constant 0 : i32
    %dma_wait3A_584 = tpu.memref_slice %arg3[%dma_wait3A_579, %add3A_520, %dma_wait3A_583] : memref<4x4096x2048xf32, #tpu.memory_space<hbm>> -> memref<1x16x2048xf32, #tpu.memory_space<hbm>>
    %dma_wait3A_585 = tpu.memref_squeeze %dma_wait3A_584 : memref<1x16x2048xf32, #tpu.memory_space<hbm>> -> memref<16x2048xf32, #tpu.memory_space<hbm>>
    tpu.wait_dma2 semaphore(%arg11 : memref<!tpu.dma_semaphore, #tpu.memory_space<semaphore_mem>>) src(%arg5 : memref<16x2048xf32, #tpu.memory_space<vmem>>) dst(%dma_wait3A_585 : memref<16x2048xf32, #tpu.memory_space<hbm>>)
    %dma_wait3A_586 = arith.constant 3 : i32
    %dma_wait3A_587 = arith.constant 0 : i32
    %dma_wait3A_588 = tpu.memref_slice %arg3[%dma_wait3A_586, %add3A_529, %dma_wait3A_587] : memref<4x4096x2048xf32, #tpu.memory_space<hbm>> -> memref<1x16x2048xf32, #tpu.memory_space<hbm>>
    %dma_wait3A_589 = tpu.memref_squeeze %dma_wait3A_588 : memref<1x16x2048xf32, #tpu.memory_space<hbm>> -> memref<16x2048xf32, #tpu.memory_space<hbm>>
    %dma_wait3A_590 = arith.constant 0 : i32
    %dma_wait3A_591 = tpu.memref_slice %arg3[%dma_wait3A_586, %add3A_529, %dma_wait3A_590] : memref<4x4096x2048xf32, #tpu.memory_space<hbm>> -> memref<1x16x2048xf32, #tpu.memory_space<hbm>>
    %dma_wait3A_592 = tpu.memref_squeeze %dma_wait3A_591 : memref<1x16x2048xf32, #tpu.memory_space<hbm>> -> memref<16x2048xf32, #tpu.memory_space<hbm>>
    tpu.wait_dma2 semaphore(%arg11 : memref<!tpu.dma_semaphore, #tpu.memory_space<semaphore_mem>>) src(%arg5 : memref<16x2048xf32, #tpu.memory_space<vmem>>) dst(%dma_wait3A_592 : memref<16x2048xf32, #tpu.memory_space<hbm>>)
    return
  }
}

</mosaic_0001>

<sc_bundles>
// kernel: kernel.3.cloned.1.call-start
scs
__scs_entry_jumppad:
0x0: {  	(pc) =	sbr.rel $0x88, $3  }
0x1: {  	(tag) =	ssettag $0x0;
	lr =	simm.s32 $0x1  }
0x2: {  	[smem:$0x3FA0] =	sst lr;
	_ =	strace $0xD0000000  }
0x3: {  	_ = 	snop  }
0x4: {  	_ = 	snop  }
0x5: {  	_ = 	snop  }
0x6: {  	_ = 	snop  }
0x7: {  	_ = 	snop  }
__scs_overlays_trampoline_lowered:
0x8: {  	[smem:$0x3FAF] =	sst s0  }
0x9: {  	[smem:$0x3FB0] =	sst s1  }
0xa: {  	[smem:$0x3FB1] =	sst s2  }
0xb: {  	[smem:$0x3FB2] =	sst s3  }
0xc: {  	[smem:$0x3FB3] =	sst s4  }
0xd: {  	[smem:$0x3FB4] =	sst s5  }
0xe: {  	[smem:$0x3FB5] =	sst s6  }
0xf: {  	[smem:$0x3FB6] =	sst s7  }
0x10: {  	[smem:$0x3FB7] =	sst s8  }
0x11: {  	[smem:$0x3FB8] =	sst s9;
	s0 =	simm.s32 @!p0 $0x0  }
0x12: {  	s1 =	sld [smem:$0x3F9E];
	s0 =	simm.s32 @p0 $0x1  }
0x13: {  	[smem:$0x3FB9] =	sst s0;
	s0 =	simm.s32 @!p1 $0x0  }
0x14: {  	s2 =	sld [smem:$0x3F9D];
	s0 =	simm.s32 @p1 $0x1  }
0x15: {  	[smem:$0x3FBA] =	sst s0;
	s0 =	simm.s32 @!p2 $0x0  }
0x16: {  	s3 =	sld [smem:$0x3FDB];
	s0 =	simm.s32 @p2 $0x1  }
0x17: {  	s4 =	simm.s32 $0x1BF5;
	[smem:$0x3FBC] =	sst s0  }
0x18: {  	s0 =	sld [smem:$0x3F9F];
	_ =	swait.ge [sflag:s4], $0x0  }
0x19: {  	s7 =	sld [smem:$0x3FA0]  }
0x1a: {  	s8 =	sadd.s32 $0xFFFFE003, lr  }
0x1b: {  	s9 =	sadd.s32 $0xFFFFFEF7, lr;
	s5 =	simm.s32 $0xFFFFFFFF;
	p2 =	slt.u32 s8, $0xFFFFF086  }
0x1c: {  	p1 =	slt.u32 s9, $0xF7A;
	s5 =	simm.s32 @!p2 $0x0  }
0x1d: {  	s5 =	simm.s32 @p1 $0x1;
	p0 =	seq.s32 s7, s2  }
0x1e: {  	s7 =	smul.u32 @!p0 $0xF7A, s2;
	p2 =	seq.s32 @!p0 s5, $0x0  }
0x1f: {  	s9 =	smul.u32 $0xF7A, s1;
	s8 =	simm.s32 @!p0 $0x1BF5;
	p2 =	por !p2, p0  }
0x20: {  	[sflag:s8] =	ssyncset.s32 @!p0 $0xFFFFF086;
	s6 =	sadd.s32 @!p0 s3, s7;
	s7 =	simm.s32 @!p0 $0x108  }
0x21: {  	s3 =	sadd.s32 s3, s9;
	s6 =	sadd.s32 @!p0 $0x88, s6;
	s7 =	simm.s32 @p2 $0x1082  }
0x22: {  	[simem:s7], [sflag:s8] =	dma.local @!p0 [hbm:s6], $0xF7A  }
0x23: {  	s9 =	sor.u32 $0xD0000000, s2;
	s6 =	simm.s32 $0x108;
	_ =	swait.ge @!p0 [sflag:s8], $0x0  }
0x24: {  	s3 =	sadd.s32 $0x88, s3;
	s6 =	simm.s32 @!p1 $0x1082;
	[sflag:s4] =	ssyncset.s32 $0xFFFFF086  }
0x25: {  	[simem:s6], [sflag:s4] =	dma.local [hbm:s3], $0xF7A  }
0x26: {  	[smem:$0x3FA0] =	sst s1;
	(tag) =	ssettag s2;
	_ =	strace s9  }
0x27: {  	s1 =	sld [smem:$0x3FB0]  }
0x28: {  	s2 =	sld [smem:$0x3FB1]  }
0x29: {  	s4 =	sld [smem:$0x3FB3]  }
0x2a: {  	p0 =	seq.s32 s5, $0x0;
	s5 =	sld [smem:$0x3FB4]  }
0x2b: {  	s6 =	sld [smem:$0x3FB5]  }
0x2c: {  	s7 =	sld [smem:$0x3FB6]  }
0x2d: {  	s3 =	simm.s32 $0x108;
	s8 =	sld [smem:$0x3FB7]  }
0x2e: {  	s3 =	simm.s32 @!p0 $0x1082;
	s9 =	sld [smem:$0x3FB8]  }
0x2f: {  	lr =	sadd.s32 s0, s3;
	s0 =	sld [smem:$0x3FAF]  }
0x30: {  	s3 =	sld [smem:$0x3FB2]  }
0x31: {  	[smem:$0x3FBB] =	sst s10  }
0x32: {  	s10 =	sld [smem:$0x3FB9];
	_ =	sdelay $0x3  }
0x33: {  	p0 =	seq.s32 s10, $0x1;
	s10 =	sld [smem:$0x3FBB];
	_ =	sdelay $0x3  }
0x34: {  	[smem:$0x3FBB] =	sst s10  }
0x35: {  	s10 =	sld [smem:$0x3FBA];
	_ =	sdelay $0x3  }
0x36: {  	p1 =	seq.s32 s10, $0x1;
	s10 =	sld [smem:$0x3FBB];
	_ =	sdelay $0x3  }
0x37: {  	[smem:$0x3FBB] =	sst s10  }
0x38: {  	s10 =	sld [smem:$0x3FBC]  }
0x39: {  	_ = 	snop;
	(pc) =	sbr.ind lr, $3  }
0x3a: {  	_ = 	snop  }
0x3b: {  	_ = 	snop  }
0x3c: {  	p2 =	seq.s32 s10, $0x1;
	s10 =	sld [smem:$0x3FBB]  }
0x3d: {  	_ =	shalt  }
0x3e: {  	_ =	shalt  }
0x3f: {  	_ =	shalt  }
0x40: {  	_ =	shalt  }
0x41: {  	_ =	shalt  }
0x42: {  	_ =	shalt  }
0x43: {  	_ =	shalt  }
0x44: {  	_ =	shalt  }
0x45: {  	_ =	shalt  }
0x46: {  	_ =	shalt  }
0x47: {  	_ =	shalt  }
0x48: {  	_ =	shalt  }
0x49: {  	_ =	shalt  }
0x4a: {  	_ =	shalt  }
0x4b: {  	_ =	shalt  }
0x4c: {  	_ =	shalt  }
0x4d: {  	_ =	shalt  }
0x4e: {  	_ =	shalt  }
0x4f: {  	_ =	shalt  }
0x50: {  	_ =	shalt  }
0x51: {  	_ =	shalt  }
0x52: {  	_ =	shalt  }
0x53: {  	_ =	shalt  }
0x54: {  	_ =	shalt  }
0x55: {  	_ =	shalt  }
0x56: {  	_ =	shalt  }
0x57: {  	_ =	shalt  }
0x58: {  	_ =	shalt  }
0x59: {  	_ =	shalt  }
0x5a: {  	_ =	shalt  }
0x5b: {  	_ =	shalt  }
0x5c: {  	_ =	shalt  }
0x5d: {  	_ =	shalt  }
0x5e: {  	_ =	shalt  }
0x5f: {  	_ =	shalt  }
0x60: {  	_ =	shalt  }
0x61: {  	_ =	shalt  }
0x62: {  	_ =	shalt  }
0x63: {  	_ =	shalt  }
0x64: {  	_ =	shalt  }
0x65: {  	_ =	shalt  }
0x66: {  	_ =	shalt  }
0x67: {  	_ =	shalt  }
0x68: {  	_ =	shalt  }
0x69: {  	_ =	shalt  }
0x6a: {  	_ =	shalt  }
0x6b: {  	_ =	shalt  }
0x6c: {  	_ =	shalt  }
0x6d: {  	_ =	shalt  }
0x6e: {  	_ =	shalt  }
0x6f: {  	_ =	shalt  }
0x70: {  	_ =	shalt  }
0x71: {  	_ =	shalt  }
0x72: {  	_ =	shalt  }
0x73: {  	_ =	shalt  }
0x74: {  	_ =	shalt  }
0x75: {  	_ =	shalt  }
0x76: {  	_ =	shalt  }
0x77: {  	_ =	shalt  }
0x78: {  	_ =	shalt  }
0x79: {  	_ =	shalt  }
0x7a: {  	_ =	shalt  }
0x7b: {  	_ =	shalt  }
0x7c: {  	_ =	shalt  }
0x7d: {  	_ =	shalt  }
0x7e: {  	_ =	shalt  }
0x7f: {  	_ =	shalt  }
0x80: {  	_ =	shalt  }
0x81: {  	_ =	shalt  }
0x82: {  	_ =	shalt  }
0x83: {  	_ =	shalt  }
0x84: {  	_ =	shalt  }
0x85: {  	_ =	shalt  }
0x86: {  	_ =	shalt  }
0x87: {  	_ =	shalt  }
.Lfunc_end0:
.L_simem_size_0:
called_computation_lowered:
.L_overlay_start_0:
0x88: {  	s2 =	sld [smem:$0x3FD9]  }
0x89: {  	s3 =	sld [smem:$0x3FFE];
	_ =	sdelay $0x1  }
0x8a: {  	s1 =	srdreg.scid  }
0x8b: {  	s0 =	sand.u32 $0x1, s1  }
0x8c: {  	s18 =	sshll.u32 s0, $0xA;
	s2 =	sadd.s32 s3, s2  }
0x8d: {  	s2 =	sadd.s32 s2, s18  }
0x8e: {  	[smem:$0x3FC7] =	sst s2  }
0x8f: {  	_ = 	snop  }
0x90: {  	s2 =	sld [smem:$0x3FC9]  }
0x91: {  	s19 =	sld [smem:$0x3FD0];
	(tm) =	ssettm $0x1  }
0x92: {  	s4 =	sld [smem:$0x3FFB];
	_ =	sdelay $0x3  }
0x93: {  	_ =	strace s4  }
0x94: {  	s4 =	sld [smem:$0x3FFC];
	_ =	sdelay $0x3  }
0x95: {  	_ =	strace s4  }
0x96: {  	s4 =	sld [smem:$0x3FFD];
	_ =	sdelay $0x3  }
0x97: {  	_ =	strace s4  }
0x98: {  	_ =	strace $0x8FFFFFFF  }
0x99: {  	s20 =	sld [smem:$0x3FDB];
	_ =	sdelay $0x1  }
0x9a: {  	s5 =	simm.s32 $_scs_section_size  }
0x9b: {  	s6 =	simm.s32 $_size__tile_overlayer_lowered;
	s7 =	simm.s32 $_tile_overlayer_lowered  }
0x9c: {  	s23 =	simm.s32 $0x1BFF;
	s22 =	sshll.u32 s7, $0x1;
	s4 =	sadd.s32 s5, s20  }
0x9d: {  	s8 =	simm.s32 $0x0;
	s21 =	sshll.u32 s6, $0x1;
	s6 =	sadd.s32 s22, s4  }
0x9e: {  	[timem:s8], [sflag:s23] =	dma.local [hbm:s6], s21  }
0x9f: {  	_ =	swait.ge [sflag:s23], s21  }
0xa0: {  	s5 =	ssub.s32 $0x0, s21;
	[sflag:s23] =	ssyncset.done $0x0  }
0xa1: {  	[sflag:s23] =	ssyncadd.s32 s5;
	_ =	sdelay $0x1  }
0xa2: {  	s24 =	simm.s32 $0x1B8B  }
0xa3: {  	_ =	swait.ge [sflag:s24], $0x1  }
0xa4: {  	[sflag:s24] =	ssyncset.done $0x0  }
0xa5: {  	s25 =	simm.s32 $0x1B8E;
	[sflag:s24] =	ssyncadd.s32 $0xFFFFFFFF  }
0xa6: {  	s26 =	simm.s32 $execute0_lowered;
	[smem:$0x3FD2] =	sst s25  }
0xa7: {  	s5 =	sshll.u32 s26, $0x1;
	_ =	strace $0x80000046;
	[dreg:$0x1] =	wrdreg $0xFFFFFFFF  }
0xa8: {  	s28 =	simm.s32 $_size_execute0_lowered;
	s4 =	sadd.s32 s4, s5;
	[dreg:$0x0] =	wrdreg $0x0  }
0xa9: {  	s5 =	sshll.u32 s28, $0x1;
	[dreg:$0x2] =	wrdreg s4  }
0xaa: {  	[dreg:$0x3] =	wrdreg s5  }
0xab: {  	[dreg:$0x4] =	wrdreg $0xC0  }
0xac: {  	_ =	task [dreg:s8], $0x5FFFF  }
0xad: {  	[dreg:$0x1] =	wrdreg $0xFFFFFFFF  }
0xae: {  	[dreg:$0x0] =	wrdreg $0x60  }
0xaf: {  	[dreg:$0x2] =	wrdreg s2  }
0xb0: {  	[dreg:$0x3] =	wrdreg s19  }
0xb1: {  	[dreg:$0x4] =	wrdreg $0x9  }
0xb2: {  	_ =	task.clear_ibuf [dreg:s8], $0x5FFFF;
	_ =	strace $0x90000046  }
0xb3: {  	s29 =	simm.s32 $0x9;
	_ =	strace $0x80000048  }
0xb4: {  	_ =	swait.ge [sflag:s29], $0x1  }
0xb5: {  	[sflag:s29] =	ssyncadd.s32 $0xFFFFFFFF  }
0xb6: {  	_ =	strace $0x90000048  }
0xb7: {  	_ =	sfence  }
0xb8: {  	s30 =	sld [smem:$0x0];
	_ =	sdelay $0x2  }
0xb9: {  	s31 =	sshll.u32 s1, $0xD;
	s1 =	sshrl.u32 s1, $0x2  }
0xba: {  	s3 =	sand.u32 $0x4000, s31;
	s1 =	sadd.s32 s1, s30  }
0xbb: {  	s0 =	sor.u32 s3, s0;
	s1 =	sshll.u32 s1, $0x11  }
0xbc: {  	s0 =	sor.u32 s1, s0  }
0xbd: {  	s0 =	sadd.s32 $0x8F2B, s0  }
0xbe: {  	[sflag:s0] =	ssyncadd.remote.s32 $0x1  }
0xbf: {  	_ =	sfence.sel $0xFFFF  }
0xc0: {  	[dreg:$0x0] =	wrdreg $0xFFFFFFFF;
	(pc) =	sbr.abs _section_cstart, $3  }
0xc1: {  	[dreg:$0x1] =	wrdreg $0xFFFFFFFF  }
0xc2: {  	_ =	task.clear_ibuf [dreg:s8], $0x2FFFF;
	_ =	strace $0x9FFFFFFF  }
0xc3: {  	(tm) =	ssettm $0x7FFFFFFF  }
tec
execute0_lowered:
.L_overlay_start_1:
0x0: {  	(tag) =	ssettag $0x1  }
0x1: {  	s3 =	rddreg [dreg:$0x0];
	s1 =	srdreg.scid  }
0x2: {  	s0 =	rddreg [dreg:$0x1];
	s4 =	stileid.u32;
	s1 =	sand.u32 $0x1, s1  }
0x3: {  	s2 =	simm.s32 $0x0;
	s4 =	sshll.u32 s4, $0x10;
	s5 =	sshll.u32 s1, $0xF  }
0x4: {  	[smem:$0x7FF] =	sst s2;
	s4 =	sor.u32 s5, s4  }
0x5: {  	_ =	strace $0x80000047;
	s5 =	sadd.s32 s3, s4;
	s6 =	sor.u32 $0x1000, s4  }
0x6: {  	s7 =	sor.u32 $0x2000, s4;
	[dreg:$0x3] =	wrdreg s5;
	s20 =	sadd.s32 s3, s6  }
0x7: {  	s31 =	sadd.s32 s0, s4;
	s21 =	sadd.s32 s3, s7;
	[dreg:$0x4] =	wrdreg s20  }
0x8: {  	s22 =	sadd.s32 $0x100000, s31;
	[dreg:$0x5] =	wrdreg s21  }
0x9: {  	s23 =	sadd.s32 $0x200000, s31;
	[dreg:$0x6] =	wrdreg s22  }
0xa: {  	s24 =	sadd.s32 $0x300000, s31;
	[dreg:$0x7] =	wrdreg s23  }
0xb: {  	s25 =	sadd.s32 s0, s6;
	[dreg:$0x8] =	wrdreg s24  }
0xc: {  	s26 =	sadd.s32 $0x101000, s31;
	[dreg:$0x9] =	wrdreg s25  }
0xd: {  	p0 =	por $0x0, $0x0;
	s6 =	sadd.s32 $0x201000, s31;
	[dreg:$0xa] =	wrdreg s26  }
0xe: {  	s9 =	sor.u32 $0x3000, s4;
	s8 =	sadd.s32 $0x301000, s31;
	[dreg:$0xb] =	wrdreg s6  }
0xf: {  	s30 =	simm.s32 $0x3;
	s10 =	sadd.s32 s3, s9;
	[dreg:$0xc] =	wrdreg s8  }
0x10: {  	s1 =	ssub.s32 $0x2, s1;
	s11 =	sadd.s32 s0, s7;
	[dreg:$0xd] =	wrdreg s10  }
0x11: {  	s19 =	sshrl.u32 s1, $0x1;
	s12 =	sadd.s32 $0x102000, s31;
	[dreg:$0xe] =	wrdreg s11  }
0x12: {  	s15 =	sor.u32 $0x4000, s4;
	s13 =	sadd.s32 $0x202000, s31;
	[dreg:$0xf] =	wrdreg s12  }
0x13: {  	s1 =	ssub.s32 s1, s19;
	s14 =	sadd.s32 $0x302000, s31;
	[dreg:$0x10] =	wrdreg s13  }
0x14: {  	s16 =	sadd.s32 s3, s15;
	s17 =	sadd.s32 s0, s9;
	[dreg:$0x11] =	wrdreg s14  }
0x15: {  	s18 =	sadd.s32 $0x103000, s31;
	s28 =	sadd.s32 $0x204000, s31;
	[dreg:$0x12] =	wrdreg s16  }
0x16: {  	s29 =	sadd.s32 $0x304000, s31;
	s19 =	sadd.s32 $0x105000, s31;
	[dreg:$0x13] =	wrdreg s17  }
0x17: {  	s7 =	sadd.s32 $0x207000, s31;
	s9 =	simm.s32 $0x8000;
	[dreg:$0x14] =	wrdreg s18  }
0x18: {  	s20 =	sadd.s32 $0x203000, s31;
	s21 =	sadd.s32 $0x303000, s31;
	s8 =	sor.u32 $0x5000, s4  }
0x19: {  	s24 =	sadd.s32 s0, s15;
	s25 =	sadd.s32 $0x104000, s31;
	s22 =	sor.u32 $0x6000, s4  }
0x1a: {  	s4 =	sor.u32 $0x7000, s4;
	s12 =	sadd.s32 $0x106000, s31;
	s13 =	sadd.s32 $0x206000, s31  }
0x1b: {  	s14 =	sadd.s32 $0x306000, s31;
	s26 =	smax.u32 s1, $0x1;
	s1 =	rddreg [dreg:$0x3]  }
0x1c: {  	s6 =	sadd.s32 $0x107000, s31;
	s16 =	simm.s32 $0x2;
	[dreg:$0x15] =	wrdreg s20  }
0x1d: {  	s15 =	simm.s32 $0x6;
	[dreg:$0x16] =	wrdreg s21;
	p1 =	sne.s32 s26, $0x1  }
.Ltmp0:
0x1e: {  	s23 =	sadd.s32 s3, s8;
	s17 =	sadd.s32 s3, s22;
	(pc) =	sbr.rel @!p1 .LBB2_5-.Ltmp0, $4  }
0x1f: {  	s18 =	sadd.s32 s0, s8;
	s20 =	sadd.s32 $0x205000, s31;
	s21 =	sadd.s32 $0x305000, s31  }
0x20: {  	s10 =	sadd.s32 s3, s4;
	s11 =	sadd.s32 s0, s22;
	s5 =	sadd.s32 s0, s4  }
0x21: {  	s8 =	sadd.s32 $0x307000, s31;
	s22 =	simm.s32 $0x10000;
	s0 =	sadd.s32 $0xFFFFFFFF, s26  }
0x22: {  	s26 =	simm.s32 $0x1;
	s4 =	simm.s32 $0x4;
	s3 =	simm.s32 $0x5  }
0x23: {  	[dreg:$0x18] =	wrdreg s0  }
0x24: {  	[tilespmem:s2], [sflag:$0x1] =	stream.linear.gather [hbm4b:s1+s2], $0x8000, $0x38;
	[tilespmem:$0x18000] =	vst v63  }
0x25: {  	s0 =	rddreg [dreg:$0x4]  }
0x26: {  	[tilespmem:s9], [sflag:$0x2] =	stream.linear.gather [hbm4b:s0+s2], $0x8000, $0x38;
	[tilespmem:$0x18000] =	vst v63  }
0x27: {  	s1 =	rddreg [dreg:$0x5]  }
0x28: {  	[tilespmem:s22], [sflag:$0x3] =	stream.linear.gather [hbm4b:s1+s2], $0x8000, $0x38;
	[tilespmem:$0x18000] =	vst v63  }
0x29: {  	_ =	swait.ge [sflag:s26], $0x8000  }
0x2a: {  	[sflag:s26] =	ssyncset.done $0x0  }
0x2b: {  	[sflag:s26] =	ssyncadd.s32 $0xFFFF8000  }
0x2c: {  	[hbm4b:s31+s2] =	stream.linear.scatter [tilespmem:s2], [sflag:$0x4], $0x8000, $0x38;
	[tilespmem:$0x18000] =	vst v63  }
0x2d: {  	s0 =	rddreg [dreg:$0x6]  }
0x2e: {  	[hbm4b:s0+s2] =	stream.linear.scatter [tilespmem:s2], [sflag:$0x4], $0x8000, $0x38;
	[tilespmem:$0x18000] =	vst v63  }
0x2f: {  	s1 =	rddreg [dreg:$0x7]  }
0x30: {  	[hbm4b:s1+s2] =	stream.linear.scatter [tilespmem:s2], [sflag:$0x4], $0x8000, $0x38;
	[tilespmem:$0x18000] =	vst v63  }
0x31: {  	s0 =	rddreg [dreg:$0x8]  }
0x32: {  	[hbm4b:s0+s2] =	stream.linear.scatter [tilespmem:s2], [sflag:$0x4], $0x8000, $0x38;
	[tilespmem:$0x18000] =	vst v63  }
0x33: {  	_ =	swait.ge [sflag:s16], $0x8000  }
0x34: {  	[sflag:s16] =	ssyncset.done $0x0  }
0x35: {  	s0 =	rddreg [dreg:$0x9];
	[sflag:s16] =	ssyncadd.s32 $0xFFFF8000  }
0x36: {  	[hbm4b:s0+s2] =	stream.linear.scatter [tilespmem:s9], [sflag:$0x5], $0x8000, $0x38;
	[tilespmem:$0x18000] =	vst v63  }
0x37: {  	s1 =	rddreg [dreg:$0xa]  }
0x38: {  	[hbm4b:s1+s2] =	stream.linear.scatter [tilespmem:s9], [sflag:$0x5], $0x8000, $0x38;
	[tilespmem:$0x18000] =	vst v63  }
0x39: {  	s0 =	rddreg [dreg:$0xb]  }
0x3a: {  	[hbm4b:s0+s2] =	stream.linear.scatter [tilespmem:s9], [sflag:$0x5], $0x8000, $0x38;
	[tilespmem:$0x18000] =	vst v63  }
0x3b: {  	s1 =	rddreg [dreg:$0xc]  }
0x3c: {  	[hbm4b:s1+s2] =	stream.linear.scatter [tilespmem:s9], [sflag:$0x5], $0x8000, $0x38;
	[tilespmem:$0x18000] =	vst v63  }
0x3d: {  	_ =	swait.ge [sflag:s30], $0x8000  }
0x3e: {  	[sflag:s30] =	ssyncset.done $0x0  }
0x3f: {  	[sflag:s30] =	ssyncadd.s32 $0xFFFF8000  }
0x40: {  	_ =	swait.ge [sflag:s4], $0x8000  }
0x41: {  	[sflag:s4] =	ssyncset.done $0x0  }
0x42: {  	[sflag:s4] =	ssyncadd.s32 $0xFFFF8000  }
0x43: {  	_ =	swait.ge [sflag:s4], $0x8000  }
0x44: {  	[sflag:s4] =	ssyncset.done $0x0  }
0x45: {  	[sflag:s4] =	ssyncadd.s32 $0xFFFF8000  }
0x46: {  	_ =	swait.ge [sflag:s4], $0x8000  }
0x47: {  	[sflag:s4] =	ssyncset.done $0x0  }
0x48: {  	[sflag:s4] =	ssyncadd.s32 $0xFFFF8000  }
0x49: {  	_ =	swait.ge [sflag:s4], $0x8000  }
0x4a: {  	[sflag:s4] =	ssyncset.done $0x0  }
0x4b: {  	s0 =	rddreg [dreg:$0xd];
	[sflag:s4] =	ssyncadd.s32 $0xFFFF8000  }
0x4c: {  	[tilespmem:s2], [sflag:$0x1] =	stream.linear.gather [hbm4b:s0+s2], $0x8000, $0x38;
	[tilespmem:$0x18000] =	vst v63  }
0x4d: {  	s1 =	rddreg [dreg:$0xe]  }
0x4e: {  	[hbm4b:s1+s2] =	stream.linear.scatter [tilespmem:s22], [sflag:$0x6], $0x8000, $0x38;
	[tilespmem:$0x18000] =	vst v63  }
0x4f: {  	s0 =	rddreg [dreg:$0xf]  }
0x50: {  	[hbm4b:s0+s2] =	stream.linear.scatter [tilespmem:s22], [sflag:$0x6], $0x8000, $0x38;
	[tilespmem:$0x18000] =	vst v63  }
0x51: {  	s1 =	rddreg [dreg:$0x10]  }
0x52: {  	[hbm4b:s1+s2] =	stream.linear.scatter [tilespmem:s22], [sflag:$0x6], $0x8000, $0x38;
	[tilespmem:$0x18000] =	vst v63  }
0x53: {  	s0 =	rddreg [dreg:$0x11]  }
0x54: {  	[hbm4b:s0+s2] =	stream.linear.scatter [tilespmem:s22], [sflag:$0x6], $0x8000, $0x38;
	[tilespmem:$0x18000] =	vst v63  }
0x55: {  	_ =	swait.ge [sflag:s26], $0x8000  }
0x56: {  	[sflag:s26] =	ssyncset.done $0x0  }
0x57: {  	[sflag:s26] =	ssyncadd.s32 $0xFFFF8000  }
0x58: {  	_ =	swait.ge [sflag:s3], $0x8000  }
0x59: {  	[sflag:s3] =	ssyncset.done $0x0  }
0x5a: {  	[sflag:s3] =	ssyncadd.s32 $0xFFFF8000  }
0x5b: {  	_ =	swait.ge [sflag:s3], $0x8000  }
0x5c: {  	[sflag:s3] =	ssyncset.done $0x0  }
0x5d: {  	[sflag:s3] =	ssyncadd.s32 $0xFFFF8000  }
0x5e: {  	_ =	swait.ge [sflag:s3], $0x8000  }
0x5f: {  	[sflag:s3] =	ssyncset.done $0x0  }
0x60: {  	[sflag:s3] =	ssyncadd.s32 $0xFFFF8000  }
0x61: {  	_ =	swait.ge [sflag:s3], $0x8000  }
0x62: {  	[sflag:s3] =	ssyncset.done $0x0  }
0x63: {  	s0 =	rddreg [dreg:$0x12];
	[sflag:s3] =	ssyncadd.s32 $0xFFFF8000  }
0x64: {  	[tilespmem:s9], [sflag:$0x2] =	stream.linear.gather [hbm4b:s0+s2], $0x8000, $0x38;
	[tilespmem:$0x18000] =	vst v63  }
0x65: {  	s1 =	rddreg [dreg:$0x13]  }
0x66: {  	[hbm4b:s1+s2] =	stream.linear.scatter [tilespmem:s2], [sflag:$0x4], $0x8000, $0x38;
	[tilespmem:$0x18000] =	vst v63  }
0x67: {  	s0 =	rddreg [dreg:$0x14]  }
0x68: {  	[hbm4b:s0+s2] =	stream.linear.scatter [tilespmem:s2], [sflag:$0x4], $0x8000, $0x38;
	[tilespmem:$0x18000] =	vst v63  }
0x69: {  	s1 =	rddreg [dreg:$0x15]  }
0x6a: {  	[hbm4b:s1+s2] =	stream.linear.scatter [tilespmem:s2], [sflag:$0x4], $0x8000, $0x38;
	[tilespmem:$0x18000] =	vst v63  }
0x6b: {  	s0 =	rddreg [dreg:$0x16]  }
0x6c: {  	[hbm4b:s0+s2] =	stream.linear.scatter [tilespmem:s2], [sflag:$0x4], $0x8000, $0x38;
	[tilespmem:$0x18000] =	vst v63  }
0x6d: {  	_ =	swait.ge [sflag:s16], $0x8000  }
0x6e: {  	[sflag:s16] =	ssyncset.done $0x0  }
0x6f: {  	[sflag:s16] =	ssyncadd.s32 $0xFFFF8000  }
0x70: {  	_ =	swait.ge [sflag:s15], $0x8000  }
0x71: {  	[sflag:s15] =	ssyncset.done $0x0  }
0x72: {  	[sflag:s15] =	ssyncadd.s32 $0xFFFF8000  }
0x73: {  	_ =	swait.ge [sflag:s15], $0x8000  }
0x74: {  	[sflag:s15] =	ssyncset.done $0x0  }
0x75: {  	[sflag:s15] =	ssyncadd.s32 $0xFFFF8000  }
0x76: {  	_ =	swait.ge [sflag:s15], $0x8000  }
0x77: {  	[sflag:s15] =	ssyncset.done $0x0  }
0x78: {  	[sflag:s15] =	ssyncadd.s32 $0xFFFF8000  }
0x79: {  	_ =	swait.ge [sflag:s15], $0x8000  }
0x7a: {  	[sflag:s15] =	ssyncset.done $0x0  }
0x7b: {  	[sflag:s15] =	ssyncadd.s32 $0xFFFF8000  }
0x7c: {  	[tilespmem:s22], [sflag:$0x3] =	stream.linear.gather [hbm4b:s23+s2], $0x8000, $0x38;
	[tilespmem:$0x18000] =	vst v63  }
0x7d: {  	_ = 	snop  }
0x7e: {  	[hbm4b:s24+s2] =	stream.linear.scatter [tilespmem:s9], [sflag:$0x5], $0x8000, $0x38;
	[tilespmem:$0x18000] =	vst v63  }
0x7f: {  	_ = 	snop  }
0x80: {  	[hbm4b:s25+s2] =	stream.linear.scatter [tilespmem:s9], [sflag:$0x5], $0x8000, $0x38;
	[tilespmem:$0x18000] =	vst v63  }
0x81: {  	_ = 	snop  }
0x82: {  	[hbm4b:s28+s2] =	stream.linear.scatter [tilespmem:s9], [sflag:$0x5], $0x8000, $0x38;
	[tilespmem:$0x18000] =	vst v63  }
0x83: {  	_ = 	snop  }
0x84: {  	[hbm4b:s29+s2] =	stream.linear.scatter [tilespmem:s9], [sflag:$0x5], $0x8000, $0x38;
	[tilespmem:$0x18000] =	vst v63  }
0x85: {  	_ =	swait.ge [sflag:s30], $0x8000  }
0x86: {  	[sflag:s30] =	ssyncset.done $0x0  }
0x87: {  	[sflag:s30] =	ssyncadd.s32 $0xFFFF8000  }
0x88: {  	_ =	swait.ge [sflag:s4], $0x8000  }
0x89: {  	[sflag:s4] =	ssyncset.done $0x0  }
0x8a: {  	[sflag:s4] =	ssyncadd.s32 $0xFFFF8000  }
0x8b: {  	_ =	swait.ge [sflag:s4], $0x8000  }
0x8c: {  	[sflag:s4] =	ssyncset.done $0x0  }
0x8d: {  	[sflag:s4] =	ssyncadd.s32 $0xFFFF8000  }
0x8e: {  	_ =	swait.ge [sflag:s4], $0x8000  }
0x8f: {  	[sflag:s4] =	ssyncset.done $0x0  }
0x90: {  	[sflag:s4] =	ssyncadd.s32 $0xFFFF8000  }
0x91: {  	_ =	swait.ge [sflag:s4], $0x8000  }
0x92: {  	[sflag:s4] =	ssyncset.done $0x0  }
0x93: {  	[sflag:s4] =	ssyncadd.s32 $0xFFFF8000  }
0x94: {  	[tilespmem:s2], [sflag:$0x1] =	stream.linear.gather [hbm4b:s17+s2], $0x8000, $0x38;
	[tilespmem:$0x18000] =	vst v63  }
0x95: {  	_ = 	snop  }
0x96: {  	[hbm4b:s18+s2] =	stream.linear.scatter [tilespmem:s22], [sflag:$0x6], $0x8000, $0x38;
	[tilespmem:$0x18000] =	vst v63  }
0x97: {  	_ = 	snop  }
0x98: {  	[hbm4b:s19+s2] =	stream.linear.scatter [tilespmem:s22], [sflag:$0x6], $0x8000, $0x38;
	[tilespmem:$0x18000] =	vst v63  }
0x99: {  	_ = 	snop  }
0x9a: {  	[hbm4b:s20+s2] =	stream.linear.scatter [tilespmem:s22], [sflag:$0x6], $0x8000, $0x38;
	[tilespmem:$0x18000] =	vst v63  }
0x9b: {  	_ = 	snop  }
0x9c: {  	[hbm4b:s21+s2] =	stream.linear.scatter [tilespmem:s22], [sflag:$0x6], $0x8000, $0x38;
	[tilespmem:$0x18000] =	vst v63  }
0x9d: {  	_ =	swait.ge [sflag:s26], $0x8000  }
0x9e: {  	[sflag:s26] =	ssyncset.done $0x0  }
0x9f: {  	[sflag:s26] =	ssyncadd.s32 $0xFFFF8000  }
0xa0: {  	_ =	swait.ge [sflag:s3], $0x8000  }
0xa1: {  	[sflag:s3] =	ssyncset.done $0x0  }
0xa2: {  	[sflag:s3] =	ssyncadd.s32 $0xFFFF8000  }
0xa3: {  	_ =	swait.ge [sflag:s3], $0x8000  }
0xa4: {  	[sflag:s3] =	ssyncset.done $0x0  }
0xa5: {  	[sflag:s3] =	ssyncadd.s32 $0xFFFF8000  }
0xa6: {  	_ =	swait.ge [sflag:s3], $0x8000  }
0xa7: {  	[sflag:s3] =	ssyncset.done $0x0  }
0xa8: {  	[sflag:s3] =	ssyncadd.s32 $0xFFFF8000  }
0xa9: {  	_ =	swait.ge [sflag:s3], $0x8000  }
0xaa: {  	[sflag:s3] =	ssyncset.done $0x0  }
0xab: {  	[sflag:s3] =	ssyncadd.s32 $0xFFFF8000  }
0xac: {  	[tilespmem:s9], [sflag:$0x2] =	stream.linear.gather [hbm4b:s10+s2], $0x8000, $0x38;
	[tilespmem:$0x18000] =	vst v63  }
0xad: {  	_ = 	snop  }
0xae: {  	[hbm4b:s11+s2] =	stream.linear.scatter [tilespmem:s2], [sflag:$0x4], $0x8000, $0x38;
	[tilespmem:$0x18000] =	vst v63  }
0xaf: {  	_ = 	snop  }
0xb0: {  	[hbm4b:s12+s2] =	stream.linear.scatter [tilespmem:s2], [sflag:$0x4], $0x8000, $0x38;
	[tilespmem:$0x18000] =	vst v63  }
0xb1: {  	_ = 	snop  }
0xb2: {  	[hbm4b:s13+s2] =	stream.linear.scatter [tilespmem:s2], [sflag:$0x4], $0x8000, $0x38;
	[tilespmem:$0x18000] =	vst v63  }
0xb3: {  	_ = 	snop  }
0xb4: {  	[hbm4b:s14+s2] =	stream.linear.scatter [tilespmem:s2], [sflag:$0x4], $0x8000, $0x38;
	[tilespmem:$0x18000] =	vst v63  }
0xb5: {  	_ =	swait.ge [sflag:s16], $0x8000  }
0xb6: {  	[sflag:s16] =	ssyncset.done $0x0  }
0xb7: {  	[sflag:s16] =	ssyncadd.s32 $0xFFFF8000  }
0xb8: {  	_ =	swait.ge [sflag:s15], $0x8000  }
0xb9: {  	[sflag:s15] =	ssyncset.done $0x0  }
0xba: {  	[sflag:s15] =	ssyncadd.s32 $0xFFFF8000  }
0xbb: {  	_ =	swait.ge [sflag:s15], $0x8000  }
0xbc: {  	[sflag:s15] =	ssyncset.done $0x0  }
0xbd: {  	[sflag:s15] =	ssyncadd.s32 $0xFFFF8000  }
0xbe: {  	_ =	swait.ge [sflag:s15], $0x8000  }
0xbf: {  	[sflag:s15] =	ssyncset.done $0x0  }
0xc0: {  	[sflag:s15] =	ssyncadd.s32 $0xFFFF8000  }
0xc1: {  	_ =	swait.ge [sflag:s15], $0x8000  }
0xc2: {  	[sflag:s15] =	ssyncset.done $0x0  }
0xc3: {  	[sflag:s15] =	ssyncadd.s32 $0xFFFF8000  }
0xc4: {  	[hbm4b:s5+s2] =	stream.linear.scatter [tilespmem:s9], [sflag:$0x5], $0x8000, $0x38;
	[tilespmem:$0x18000] =	vst v63  }
0xc5: {  	_ = 	snop  }
0xc6: {  	[hbm4b:s6+s2] =	stream.linear.scatter [tilespmem:s9], [sflag:$0x5], $0x8000, $0x38;
	[tilespmem:$0x18000] =	vst v63  }
0xc7: {  	_ = 	snop  }
0xc8: {  	[hbm4b:s7+s2] =	stream.linear.scatter [tilespmem:s9], [sflag:$0x5], $0x8000, $0x38;
	[tilespmem:$0x18000] =	vst v63  }
0xc9: {  	_ = 	snop  }
0xca: {  	[hbm4b:s8+s2] =	stream.linear.scatter [tilespmem:s9], [sflag:$0x5], $0x8000, $0x38;
	[tilespmem:$0x18000] =	vst v63  }
0xcb: {  	_ =	swait.ge [sflag:s4], $0x8000  }
0xcc: {  	[sflag:s4] =	ssyncset.done $0x0  }
0xcd: {  	[sflag:s4] =	ssyncadd.s32 $0xFFFF8000  }
0xce: {  	_ =	swait.ge [sflag:s4], $0x8000  }
0xcf: {  	[sflag:s4] =	ssyncset.done $0x0  }
0xd0: {  	[sflag:s4] =	ssyncadd.s32 $0xFFFF8000  }
0xd1: {  	_ =	swait.ge [sflag:s4], $0x8000  }
0xd2: {  	[sflag:s4] =	ssyncset.done $0x0  }
0xd3: {  	[sflag:s4] =	ssyncadd.s32 $0xFFFF8000  }
0xd4: {  	_ =	swait.ge [sflag:s4], $0x8000  }
0xd5: {  	[sflag:s4] =	ssyncset.done $0x0  }
0xd6: {  	[sflag:s4] =	ssyncadd.s32 $0xFFFF8000  }
0xd7: {  	_ =	swait.ge [sflag:s3], $0x8000  }
0xd8: {  	[sflag:s3] =	ssyncset.done $0x0  }
0xd9: {  	[sflag:s3] =	ssyncadd.s32 $0xFFFF8000  }
0xda: {  	_ =	swait.ge [sflag:s3], $0x8000  }
0xdb: {  	[sflag:s3] =	ssyncset.done $0x0  }
0xdc: {  	[sflag:s3] =	ssyncadd.s32 $0xFFFF8000  }
0xdd: {  	_ =	swait.ge [sflag:s3], $0x8000  }
0xde: {  	s1 =	rddreg [dreg:$0x18]  }
0xdf: {  	p1 =	sne.s32 s1, $0x1  }
.Ltmp1:
0xe0: {  	_ = 	snop;
	(pc) =	sbr.rel @!p1 .LBB2_2-.Ltmp1, $4  }
0xe1: {  	[sflag:s3] =	ssyncset.done $0x0  }
0xe2: {  	[sflag:s3] =	ssyncadd.s32 $0xFFFF8000  }
0xe3: {  	p0 =	por $0x1, $0x1;
	_ =	swait.ge [sflag:s3], $0x8000;
	[dreg:$0x17] =	wrdreg s31  }
0xe4: {  	s0 =	sadd.s32 $0xFFFFFFFF, s1;
	s1 =	rddreg [dreg:$0x3];
	[sflag:s3] =	ssyncset.done $0x0  }
.LBB2_3:
0xe5: {  	[sflag:s3] =	ssyncadd.s32 $0xFFFF8000;
	s31 =	smov.u32 s29;
	s29 =	smov.u32 s28  }
0xe6: {  	s28 =	smov.u32 s25;
	s25 =	smov.u32 s24;
	s24 =	smov.u32 s23  }
0xe7: {  	s23 =	smov.u32 s21;
	s21 =	smov.u32 s20;
	s20 =	smov.u32 s19  }
0xe8: {  	s19 =	smov.u32 s18;
	s18 =	smov.u32 s17;
	s17 =	smov.u32 s14  }
0xe9: {  	s14 =	smov.u32 s13;
	s13 =	smov.u32 s12;
	s12 =	smov.u32 s11  }
0xea: {  	s11 =	smov.u32 s10;
	s10 =	smov.u32 s8;
	s8 =	smov.u32 s7  }
0xeb: {  	[tilespmem:s2], [sflag:$0x1] =	stream.linear.gather [hbm4b:s1+s2], $0x8000, $0x38;
	[tilespmem:$0x18000] =	vst v63  }
0xec: {  	s7 =	smov.u32 s6;
	s6 =	smov.u32 s5;
	s5 =	rddreg [dreg:$0x4]  }
0xed: {  	[tilespmem:s9], [sflag:$0x2] =	stream.linear.gather [hbm4b:s5+s2], $0x8000, $0x38;
	[tilespmem:$0x18000] =	vst v63  }
0xee: {  	s1 =	rddreg [dreg:$0x5]  }
0xef: {  	[tilespmem:s22], [sflag:$0x3] =	stream.linear.gather [hbm4b:s1+s2], $0x8000, $0x38;
	[tilespmem:$0x18000] =	vst v63  }
0xf0: {  	_ =	swait.ge [sflag:s26], $0x8000  }
0xf1: {  	[sflag:s26] =	ssyncset.done $0x0  }
0xf2: {  	s5 =	rddreg [dreg:$0x17];
	[sflag:s26] =	ssyncadd.s32 $0xFFFF8000  }
0xf3: {  	[hbm4b:s5+s2] =	stream.linear.scatter [tilespmem:s2], [sflag:$0x4], $0x8000, $0x38;
	[tilespmem:$0x18000] =	vst v63  }
0xf4: {  	s1 =	rddreg [dreg:$0x6]  }
0xf5: {  	[hbm4b:s1+s2] =	stream.linear.scatter [tilespmem:s2], [sflag:$0x4], $0x8000, $0x38;
	[tilespmem:$0x18000] =	vst v63  }
0xf6: {  	s5 =	rddreg [dreg:$0x7]  }
0xf7: {  	[hbm4b:s5+s2] =	stream.linear.scatter [tilespmem:s2], [sflag:$0x4], $0x8000, $0x38;
	[tilespmem:$0x18000] =	vst v63  }
0xf8: {  	s1 =	rddreg [dreg:$0x8]  }
0xf9: {  	[hbm4b:s1+s2] =	stream.linear.scatter [tilespmem:s2], [sflag:$0x4], $0x8000, $0x38;
	[tilespmem:$0x18000] =	vst v63  }
0xfa: {  	_ =	swait.ge [sflag:s16], $0x8000  }
0xfb: {  	[sflag:s16] =	ssyncset.done $0x0  }
0xfc: {  	s1 =	rddreg [dreg:$0x9];
	[sflag:s16] =	ssyncadd.s32 $0xFFFF8000  }
0xfd: {  	[hbm4b:s1+s2] =	stream.linear.scatter [tilespmem:s9], [sflag:$0x5], $0x8000, $0x38;
	[tilespmem:$0x18000] =	vst v63  }
0xfe: {  	s5 =	rddreg [dreg:$0xa]  }
0xff: {  	[hbm4b:s5+s2] =	stream.linear.scatter [tilespmem:s9], [sflag:$0x5], $0x8000, $0x38;
	[tilespmem:$0x18000] =	vst v63  }
0x100: {  	s1 =	rddreg [dreg:$0xb]  }
0x101: {  	[hbm4b:s1+s2] =	stream.linear.scatter [tilespmem:s9], [sflag:$0x5], $0x8000, $0x38;
	[tilespmem:$0x18000] =	vst v63  }
0x102: {  	s5 =	rddreg [dreg:$0xc]  }
0x103: {  	[hbm4b:s5+s2] =	stream.linear.scatter [tilespmem:s9], [sflag:$0x5], $0x8000, $0x38;
	[tilespmem:$0x18000] =	vst v63  }
0x104: {  	_ =	swait.ge [sflag:s30], $0x8000  }
0x105: {  	[sflag:s30] =	ssyncset.done $0x0  }
0x106: {  	[sflag:s30] =	ssyncadd.s32 $0xFFFF8000  }
0x107: {  	_ =	swait.ge [sflag:s4], $0x8000  }
0x108: {  	[sflag:s4] =	ssyncset.done $0x0  }
0x109: {  	[sflag:s4] =	ssyncadd.s32 $0xFFFF8000  }
0x10a: {  	_ =	swait.ge [sflag:s4], $0x8000  }
0x10b: {  	[sflag:s4] =	ssyncset.done $0x0  }
0x10c: {  	[sflag:s4] =	ssyncadd.s32 $0xFFFF8000  }
0x10d: {  	_ =	swait.ge [sflag:s4], $0x8000  }
0x10e: {  	[sflag:s4] =	ssyncset.done $0x0  }
0x10f: {  	[sflag:s4] =	ssyncadd.s32 $0xFFFF8000  }
0x110: {  	_ =	swait.ge [sflag:s4], $0x8000  }
0x111: {  	[sflag:s4] =	ssyncset.done $0x0  }
0x112: {  	s1 =	rddreg [dreg:$0xd];
	[sflag:s4] =	ssyncadd.s32 $0xFFFF8000  }
0x113: {  	[tilespmem:s2], [sflag:$0x1] =	stream.linear.gather [hbm4b:s1+s2], $0x8000, $0x38;
	[tilespmem:$0x18000] =	vst v63  }
0x114: {  	s5 =	rddreg [dreg:$0xe]  }
0x115: {  	[hbm4b:s5+s2] =	stream.linear.scatter [tilespmem:s22], [sflag:$0x6], $0x8000, $0x38;
	[tilespmem:$0x18000] =	vst v63  }
0x116: {  	s1 =	rddreg [dreg:$0xf]  }
0x117: {  	[hbm4b:s1+s2] =	stream.linear.scatter [tilespmem:s22], [sflag:$0x6], $0x8000, $0x38;
	[tilespmem:$0x18000] =	vst v63  }
0x118: {  	s5 =	rddreg [dreg:$0x10]  }
0x119: {  	[hbm4b:s5+s2] =	stream.linear.scatter [tilespmem:s22], [sflag:$0x6], $0x8000, $0x38;
	[tilespmem:$0x18000] =	vst v63  }
0x11a: {  	s1 =	rddreg [dreg:$0x11]  }
0x11b: {  	[hbm4b:s1+s2] =	stream.linear.scatter [tilespmem:s22], [sflag:$0x6], $0x8000, $0x38;
	[tilespmem:$0x18000] =	vst v63  }
0x11c: {  	_ =	swait.ge [sflag:s26], $0x8000  }
0x11d: {  	[sflag:s26] =	ssyncset.done $0x0  }
0x11e: {  	[sflag:s26] =	ssyncadd.s32 $0xFFFF8000  }
0x11f: {  	_ =	swait.ge [sflag:s3], $0x8000  }
0x120: {  	[sflag:s3] =	ssyncset.done $0x0  }
0x121: {  	[sflag:s3] =	ssyncadd.s32 $0xFFFF8000  }
0x122: {  	_ =	swait.ge [sflag:s3], $0x8000  }
0x123: {  	[sflag:s3] =	ssyncset.done $0x0  }
0x124: {  	[sflag:s3] =	ssyncadd.s32 $0xFFFF8000  }
0x125: {  	_ =	swait.ge [sflag:s3], $0x8000  }
0x126: {  	[sflag:s3] =	ssyncset.done $0x0  }
0x127: {  	[sflag:s3] =	ssyncadd.s32 $0xFFFF8000  }
0x128: {  	_ =	swait.ge [sflag:s3], $0x8000  }
0x129: {  	[sflag:s3] =	ssyncset.done $0x0  }
0x12a: {  	s1 =	rddreg [dreg:$0x12];
	[sflag:s3] =	ssyncadd.s32 $0xFFFF8000  }
0x12b: {  	[tilespmem:s9], [sflag:$0x2] =	stream.linear.gather [hbm4b:s1+s2], $0x8000, $0x38;
	[tilespmem:$0x18000] =	vst v63  }
0x12c: {  	s5 =	rddreg [dreg:$0x13]  }
0x12d: {  	[hbm4b:s5+s2] =	stream.linear.scatter [tilespmem:s2], [sflag:$0x4], $0x8000, $0x38;
	[tilespmem:$0x18000] =	vst v63  }
0x12e: {  	s1 =	rddreg [dreg:$0x14]  }
0x12f: {  	[hbm4b:s1+s2] =	stream.linear.scatter [tilespmem:s2], [sflag:$0x4], $0x8000, $0x38;
	[tilespmem:$0x18000] =	vst v63  }
0x130: {  	s5 =	rddreg [dreg:$0x15]  }
0x131: {  	[hbm4b:s5+s2] =	stream.linear.scatter [tilespmem:s2], [sflag:$0x4], $0x8000, $0x38;
	[tilespmem:$0x18000] =	vst v63  }
0x132: {  	s1 =	rddreg [dreg:$0x16]  }
0x133: {  	[hbm4b:s1+s2] =	stream.linear.scatter [tilespmem:s2], [sflag:$0x4], $0x8000, $0x38;
	[tilespmem:$0x18000] =	vst v63  }
0x134: {  	_ =	swait.ge [sflag:s16], $0x8000  }
0x135: {  	[sflag:s16] =	ssyncset.done $0x0  }
0x136: {  	[sflag:s16] =	ssyncadd.s32 $0xFFFF8000  }
0x137: {  	_ =	swait.ge [sflag:s15], $0x8000  }
0x138: {  	[sflag:s15] =	ssyncset.done $0x0  }
0x139: {  	[sflag:s15] =	ssyncadd.s32 $0xFFFF8000  }
0x13a: {  	_ =	swait.ge [sflag:s15], $0x8000  }
0x13b: {  	s5 =	smov.u32 s6;
	[sflag:s15] =	ssyncset.done $0x0  }
0x13c: {  	s6 =	smov.u32 s7;
	s7 =	smov.u32 s8;
	[sflag:s15] =	ssyncadd.s32 $0xFFFF8000  }
0x13d: {  	s8 =	smov.u32 s10;
	s10 =	smov.u32 s11;
	_ =	swait.ge [sflag:s15], $0x8000  }
0x13e: {  	s11 =	smov.u32 s12;
	s12 =	smov.u32 s13;
	[sflag:s15] =	ssyncset.done $0x0  }
0x13f: {  	s13 =	smov.u32 s14;
	s14 =	smov.u32 s17;
	[sflag:s15] =	ssyncadd.s32 $0xFFFF8000  }
0x140: {  	s17 =	smov.u32 s18;
	s18 =	smov.u32 s19;
	_ =	swait.ge [sflag:s15], $0x8000  }
0x141: {  	s19 =	smov.u32 s20;
	s20 =	smov.u32 s21;
	[sflag:s15] =	ssyncset.done $0x0  }
0x142: {  	s21 =	smov.u32 s23;
	s23 =	smov.u32 s24;
	[sflag:s15] =	ssyncadd.s32 $0xFFFF8000  }
0x143: {  	[tilespmem:s22], [sflag:$0x3] =	stream.linear.gather [hbm4b:s23+s2], $0x8000, $0x38;
	[tilespmem:$0x18000] =	vst v63  }
0x144: {  	s24 =	smov.u32 s25  }
0x145: {  	[hbm4b:s24+s2] =	stream.linear.scatter [tilespmem:s9], [sflag:$0x5], $0x8000, $0x38;
	[tilespmem:$0x18000] =	vst v63  }
0x146: {  	s25 =	smov.u32 s28  }
0x147: {  	[hbm4b:s25+s2] =	stream.linear.scatter [tilespmem:s9], [sflag:$0x5], $0x8000, $0x38;
	[tilespmem:$0x18000] =	vst v63  }
0x148: {  	s28 =	smov.u32 s29  }
0x149: {  	[hbm4b:s28+s2] =	stream.linear.scatter [tilespmem:s9], [sflag:$0x5], $0x8000, $0x38;
	[tilespmem:$0x18000] =	vst v63  }
0x14a: {  	_ = 	snop  }
0x14b: {  	[hbm4b:s31+s2] =	stream.linear.scatter [tilespmem:s9], [sflag:$0x5], $0x8000, $0x38;
	[tilespmem:$0x18000] =	vst v63  }
0x14c: {  	_ =	swait.ge [sflag:s30], $0x8000  }
0x14d: {  	[sflag:s30] =	ssyncset.done $0x0  }
0x14e: {  	[sflag:s30] =	ssyncadd.s32 $0xFFFF8000  }
0x14f: {  	_ =	swait.ge [sflag:s4], $0x8000  }
0x150: {  	[sflag:s4] =	ssyncset.done $0x0  }
0x151: {  	[sflag:s4] =	ssyncadd.s32 $0xFFFF8000  }
0x152: {  	_ =	swait.ge [sflag:s4], $0x8000  }
0x153: {  	[sflag:s4] =	ssyncset.done $0x0  }
0x154: {  	[sflag:s4] =	ssyncadd.s32 $0xFFFF8000  }
0x155: {  	_ =	swait.ge [sflag:s4], $0x8000  }
0x156: {  	[sflag:s4] =	ssyncset.done $0x0  }
0x157: {  	[sflag:s4] =	ssyncadd.s32 $0xFFFF8000  }
0x158: {  	_ =	swait.ge [sflag:s4], $0x8000  }
0x159: {  	[sflag:s4] =	ssyncset.done $0x0  }
0x15a: {  	[sflag:s4] =	ssyncadd.s32 $0xFFFF8000  }
0x15b: {  	[tilespmem:s2], [sflag:$0x1] =	stream.linear.gather [hbm4b:s17+s2], $0x8000, $0x38;
	[tilespmem:$0x18000] =	vst v63  }
0x15c: {  	_ = 	snop  }
0x15d: {  	[hbm4b:s18+s2] =	stream.linear.scatter [tilespmem:s22], [sflag:$0x6], $0x8000, $0x38;
	[tilespmem:$0x18000] =	vst v63  }
0x15e: {  	_ = 	snop  }
0x15f: {  	[hbm4b:s19+s2] =	stream.linear.scatter [tilespmem:s22], [sflag:$0x6], $0x8000, $0x38;
	[tilespmem:$0x18000] =	vst v63  }
0x160: {  	_ = 	snop  }
0x161: {  	[hbm4b:s20+s2] =	stream.linear.scatter [tilespmem:s22], [sflag:$0x6], $0x8000, $0x38;
	[tilespmem:$0x18000] =	vst v63  }
0x162: {  	_ = 	snop  }
0x163: {  	[hbm4b:s21+s2] =	stream.linear.scatter [tilespmem:s22], [sflag:$0x6], $0x8000, $0x38;
	[tilespmem:$0x18000] =	vst v63  }
0x164: {  	_ =	swait.ge [sflag:s26], $0x8000  }
0x165: {  	[sflag:s26] =	ssyncset.done $0x0  }
0x166: {  	[sflag:s26] =	ssyncadd.s32 $0xFFFF8000  }
0x167: {  	_ =	swait.ge [sflag:s3], $0x8000  }
0x168: {  	[sflag:s3] =	ssyncset.done $0x0  }
0x169: {  	[sflag:s3] =	ssyncadd.s32 $0xFFFF8000  }
0x16a: {  	_ =	swait.ge [sflag:s3], $0x8000  }
0x16b: {  	[sflag:s3] =	ssyncset.done $0x0  }
0x16c: {  	[sflag:s3] =	ssyncadd.s32 $0xFFFF8000  }
0x16d: {  	_ =	swait.ge [sflag:s3], $0x8000  }
0x16e: {  	[sflag:s3] =	ssyncset.done $0x0  }
0x16f: {  	[sflag:s3] =	ssyncadd.s32 $0xFFFF8000  }
0x170: {  	_ =	swait.ge [sflag:s3], $0x8000  }
0x171: {  	[sflag:s3] =	ssyncset.done $0x0  }
0x172: {  	[sflag:s3] =	ssyncadd.s32 $0xFFFF8000  }
0x173: {  	[tilespmem:s9], [sflag:$0x2] =	stream.linear.gather [hbm4b:s10+s2], $0x8000, $0x38;
	[tilespmem:$0x18000] =	vst v63  }
0x174: {  	_ = 	snop  }
0x175: {  	[hbm4b:s11+s2] =	stream.linear.scatter [tilespmem:s2], [sflag:$0x4], $0x8000, $0x38;
	[tilespmem:$0x18000] =	vst v63  }
0x176: {  	_ = 	snop  }
0x177: {  	[hbm4b:s12+s2] =	stream.linear.scatter [tilespmem:s2], [sflag:$0x4], $0x8000, $0x38;
	[tilespmem:$0x18000] =	vst v63  }
0x178: {  	_ = 	snop  }
0x179: {  	[hbm4b:s13+s2] =	stream.linear.scatter [tilespmem:s2], [sflag:$0x4], $0x8000, $0x38;
	[tilespmem:$0x18000] =	vst v63  }
0x17a: {  	_ = 	snop  }
0x17b: {  	[hbm4b:s14+s2] =	stream.linear.scatter [tilespmem:s2], [sflag:$0x4], $0x8000, $0x38;
	[tilespmem:$0x18000] =	vst v63  }
0x17c: {  	_ =	swait.ge [sflag:s16], $0x8000  }
0x17d: {  	[sflag:s16] =	ssyncset.done $0x0  }
0x17e: {  	[sflag:s16] =	ssyncadd.s32 $0xFFFF8000  }
0x17f: {  	_ =	swait.ge [sflag:s15], $0x8000  }
0x180: {  	[sflag:s15] =	ssyncset.done $0x0  }
0x181: {  	[sflag:s15] =	ssyncadd.s32 $0xFFFF8000  }
0x182: {  	_ =	swait.ge [sflag:s15], $0x8000  }
0x183: {  	[sflag:s15] =	ssyncset.done $0x0  }
0x184: {  	[sflag:s15] =	ssyncadd.s32 $0xFFFF8000  }
0x185: {  	_ =	swait.ge [sflag:s15], $0x8000  }
0x186: {  	[sflag:s15] =	ssyncset.done $0x0  }
0x187: {  	[sflag:s15] =	ssyncadd.s32 $0xFFFF8000  }
0x188: {  	_ =	swait.ge [sflag:s15], $0x8000  }
0x189: {  	[sflag:s15] =	ssyncset.done $0x0  }
0x18a: {  	[sflag:s15] =	ssyncadd.s32 $0xFFFF8000  }
0x18b: {  	[hbm4b:s5+s2] =	stream.linear.scatter [tilespmem:s9], [sflag:$0x5], $0x8000, $0x38;
	[tilespmem:$0x18000] =	vst v63  }
0x18c: {  	_ = 	snop  }
0x18d: {  	[hbm4b:s6+s2] =	stream.linear.scatter [tilespmem:s9], [sflag:$0x5], $0x8000, $0x38;
	[tilespmem:$0x18000] =	vst v63  }
0x18e: {  	_ = 	snop  }
0x18f: {  	[hbm4b:s7+s2] =	stream.linear.scatter [tilespmem:s9], [sflag:$0x5], $0x8000, $0x38;
	[tilespmem:$0x18000] =	vst v63  }
0x190: {  	_ = 	snop  }
0x191: {  	[hbm4b:s8+s2] =	stream.linear.scatter [tilespmem:s9], [sflag:$0x5], $0x8000, $0x38;
	[tilespmem:$0x18000] =	vst v63  }
0x192: {  	_ =	swait.ge [sflag:s4], $0x8000  }
0x193: {  	[sflag:s4] =	ssyncset.done $0x0  }
0x194: {  	[sflag:s4] =	ssyncadd.s32 $0xFFFF8000  }
0x195: {  	_ =	swait.ge [sflag:s4], $0x8000  }
0x196: {  	[sflag:s4] =	ssyncset.done $0x0  }
0x197: {  	[sflag:s4] =	ssyncadd.s32 $0xFFFF8000  }
0x198: {  	_ =	swait.ge [sflag:s4], $0x8000  }
0x199: {  	[sflag:s4] =	ssyncset.done $0x0  }
0x19a: {  	[sflag:s4] =	ssyncadd.s32 $0xFFFF8000  }
0x19b: {  	_ =	swait.ge [sflag:s4], $0x8000  }
0x19c: {  	[sflag:s4] =	ssyncset.done $0x0  }
0x19d: {  	[sflag:s4] =	ssyncadd.s32 $0xFFFF8000  }
0x19e: {  	_ =	swait.ge [sflag:s3], $0x8000  }
0x19f: {  	[sflag:s3] =	ssyncset.done $0x0  }
0x1a0: {  	[sflag:s3] =	ssyncadd.s32 $0xFFFF8000  }
0x1a1: {  	_ =	swait.ge [sflag:s3], $0x8000  }
0x1a2: {  	[sflag:s3] =	ssyncset.done $0x0  }
0x1a3: {  	p1 =	sne.s32 s0, $0x1;
	[sflag:s3] =	ssyncadd.s32 $0xFFFF8000  }
.Ltmp2:
0x1a4: {  	_ =	swait.ge [sflag:s3], $0x8000;
	(pc) =	sbr.rel @p1 .LBB2_3-.Ltmp2, $4  }
0x1a5: {  	[sflag:s3] =	ssyncset.done $0x0  }
0x1a6: {  	[sflag:s3] =	ssyncadd.s32 $0xFFFF8000  }
0x1a7: {  	s0 =	sadd.s32 $0xFFFFFFFF, s0;
	_ =	swait.ge [sflag:s3], $0x8000  }
0x1a8: {  	s29 =	smov.u32 s31;
	s1 =	rddreg [dreg:$0x3];
	[sflag:s3] =	ssyncset.done $0x0  }
0x1a9: {  	s31 =	rddreg [dreg:$0x17]  }
.LBB2_5:
0x1aa: {  	[sflag:s3] =	ssyncadd.s32 @p0 $0xFFFF8000  }
0x1ab: {  	[tilespmem:s2], [sflag:$0x1] =	stream.linear.gather [hbm4b:s1+s2], $0x8000, $0x38;
	[tilespmem:$0x18000] =	vst v63  }
0x1ac: {  	s0 =	rddreg [dreg:$0x4]  }
0x1ad: {  	[tilespmem:s9], [sflag:$0x2] =	stream.linear.gather [hbm4b:s0+s2], $0x8000, $0x38;
	[tilespmem:$0x18000] =	vst v63  }
0x1ae: {  	s1 =	rddreg [dreg:$0x5]  }
0x1af: {  	[tilespmem:s22], [sflag:$0x3] =	stream.linear.gather [hbm4b:s1+s2], $0x8000, $0x38;
	[tilespmem:$0x18000] =	vst v63  }
0x1b0: {  	_ =	swait.ge [sflag:s26], $0x8000  }
0x1b1: {  	[sflag:s26] =	ssyncset.done $0x0  }
0x1b2: {  	[sflag:s26] =	ssyncadd.s32 $0xFFFF8000  }
0x1b3: {  	[hbm4b:s31+s2] =	stream.linear.scatter [tilespmem:s2], [sflag:$0x4], $0x8000, $0x38;
	[tilespmem:$0x18000] =	vst v63  }
0x1b4: {  	s0 =	rddreg [dreg:$0x6]  }
0x1b5: {  	[hbm4b:s0+s2] =	stream.linear.scatter [tilespmem:s2], [sflag:$0x4], $0x8000, $0x38;
	[tilespmem:$0x18000] =	vst v63  }
0x1b6: {  	s1 =	rddreg [dreg:$0x7]  }
0x1b7: {  	[hbm4b:s1+s2] =	stream.linear.scatter [tilespmem:s2], [sflag:$0x4], $0x8000, $0x38;
	[tilespmem:$0x18000] =	vst v63  }
0x1b8: {  	s31 =	rddreg [dreg:$0x8]  }
0x1b9: {  	[hbm4b:s31+s2] =	stream.linear.scatter [tilespmem:s2], [sflag:$0x4], $0x8000, $0x38;
	[tilespmem:$0x18000] =	vst v63  }
0x1ba: {  	_ =	swait.ge [sflag:s16], $0x8000  }
0x1bb: {  	[sflag:s16] =	ssyncset.done $0x0  }
0x1bc: {  	s1 =	rddreg [dreg:$0x9];
	[sflag:s16] =	ssyncadd.s32 $0xFFFF8000  }
0x1bd: {  	[hbm4b:s1+s2] =	stream.linear.scatter [tilespmem:s9], [sflag:$0x5], $0x8000, $0x38;
	[tilespmem:$0x18000] =	vst v63  }
0x1be: {  	s31 =	rddreg [dreg:$0xa]  }
0x1bf: {  	[hbm4b:s31+s2] =	stream.linear.scatter [tilespmem:s9], [sflag:$0x5], $0x8000, $0x38;
	[tilespmem:$0x18000] =	vst v63  }
0x1c0: {  	s0 =	rddreg [dreg:$0xb]  }
0x1c1: {  	[hbm4b:s0+s2] =	stream.linear.scatter [tilespmem:s9], [sflag:$0x5], $0x8000, $0x38;
	[tilespmem:$0x18000] =	vst v63  }
0x1c2: {  	s31 =	rddreg [dreg:$0xc]  }
0x1c3: {  	[hbm4b:s31+s2] =	stream.linear.scatter [tilespmem:s9], [sflag:$0x5], $0x8000, $0x38;
	[tilespmem:$0x18000] =	vst v63  }
0x1c4: {  	_ =	swait.ge [sflag:s30], $0x8000  }
0x1c5: {  	[sflag:s30] =	ssyncset.done $0x0  }
0x1c6: {  	[sflag:s30] =	ssyncadd.s32 $0xFFFF8000  }
0x1c7: {  	_ =	swait.ge [sflag:s4], $0x8000  }
0x1c8: {  	[sflag:s4] =	ssyncset.done $0x0  }
0x1c9: {  	[sflag:s4] =	ssyncadd.s32 $0xFFFF8000  }
0x1ca: {  	_ =	swait.ge [sflag:s4], $0x8000  }
0x1cb: {  	[sflag:s4] =	ssyncset.done $0x0  }
0x1cc: {  	[sflag:s4] =	ssyncadd.s32 $0xFFFF8000  }
0x1cd: {  	_ =	swait.ge [sflag:s4], $0x8000  }
0x1ce: {  	[sflag:s4] =	ssyncset.done $0x0  }
0x1cf: {  	[sflag:s4] =	ssyncadd.s32 $0xFFFF8000  }
0x1d0: {  	_ =	swait.ge [sflag:s4], $0x8000  }
0x1d1: {  	[sflag:s4] =	ssyncset.done $0x0  }
0x1d2: {  	s31 =	rddreg [dreg:$0xd];
	[sflag:s4] =	ssyncadd.s32 $0xFFFF8000  }
0x1d3: {  	[tilespmem:s2], [sflag:$0x1] =	stream.linear.gather [hbm4b:s31+s2], $0x8000, $0x38;
	[tilespmem:$0x18000] =	vst v63  }
0x1d4: {  	s1 =	rddreg [dreg:$0xe]  }
0x1d5: {  	[hbm4b:s1+s2] =	stream.linear.scatter [tilespmem:s22], [sflag:$0x6], $0x8000, $0x38;
	[tilespmem:$0x18000] =	vst v63  }
0x1d6: {  	s31 =	rddreg [dreg:$0xf]  }
0x1d7: {  	[hbm4b:s31+s2] =	stream.linear.scatter [tilespmem:s22], [sflag:$0x6], $0x8000, $0x38;
	[tilespmem:$0x18000] =	vst v63  }
0x1d8: {  	s1 =	rddreg [dreg:$0x10]  }
0x1d9: {  	[hbm4b:s1+s2] =	stream.linear.scatter [tilespmem:s22], [sflag:$0x6], $0x8000, $0x38;
	[tilespmem:$0x18000] =	vst v63  }
0x1da: {  	s31 =	rddreg [dreg:$0x11]  }
0x1db: {  	[hbm4b:s31+s2] =	stream.linear.scatter [tilespmem:s22], [sflag:$0x6], $0x8000, $0x38;
	[tilespmem:$0x18000] =	vst v63  }
0x1dc: {  	_ =	swait.ge [sflag:s26], $0x8000  }
0x1dd: {  	[sflag:s26] =	ssyncset.done $0x0  }
0x1de: {  	[sflag:s26] =	ssyncadd.s32 $0xFFFF8000  }
0x1df: {  	_ =	swait.ge [sflag:s3], $0x8000  }
0x1e0: {  	[sflag:s3] =	ssyncset.done $0x0  }
0x1e1: {  	[sflag:s3] =	ssyncadd.s32 $0xFFFF8000  }
0x1e2: {  	_ =	swait.ge [sflag:s3], $0x8000  }
0x1e3: {  	[sflag:s3] =	ssyncset.done $0x0  }
0x1e4: {  	[sflag:s3] =	ssyncadd.s32 $0xFFFF8000  }
0x1e5: {  	_ =	swait.ge [sflag:s3], $0x8000  }
0x1e6: {  	[sflag:s3] =	ssyncset.done $0x0  }
0x1e7: {  	[sflag:s3] =	ssyncadd.s32 $0xFFFF8000  }
0x1e8: {  	_ =	swait.ge [sflag:s3], $0x8000  }
0x1e9: {  	[sflag:s3] =	ssyncset.done $0x0  }
0x1ea: {  	s31 =	rddreg [dreg:$0x12];
	[sflag:s3] =	ssyncadd.s32 $0xFFFF8000  }
0x1eb: {  	[tilespmem:s9], [sflag:$0x2] =	stream.linear.gather [hbm4b:s31+s2], $0x8000, $0x38;
	[tilespmem:$0x18000] =	vst v63  }
0x1ec: {  	s1 =	rddreg [dreg:$0x13]  }
0x1ed: {  	[hbm4b:s1+s2] =	stream.linear.scatter [tilespmem:s2], [sflag:$0x4], $0x8000, $0x38;
	[tilespmem:$0x18000] =	vst v63  }
0x1ee: {  	s31 =	rddreg [dreg:$0x14]  }
0x1ef: {  	[hbm4b:s31+s2] =	stream.linear.scatter [tilespmem:s2], [sflag:$0x4], $0x8000, $0x38;
	[tilespmem:$0x18000] =	vst v63  }
0x1f0: {  	s1 =	rddreg [dreg:$0x15]  }
0x1f1: {  	[hbm4b:s1+s2] =	stream.linear.scatter [tilespmem:s2], [sflag:$0x4], $0x8000, $0x38;
	[tilespmem:$0x18000] =	vst v63  }
0x1f2: {  	s31 =	rddreg [dreg:$0x16]  }
0x1f3: {  	[hbm4b:s31+s2] =	stream.linear.scatter [tilespmem:s2], [sflag:$0x4], $0x8000, $0x38;
	[tilespmem:$0x18000] =	vst v63  }
0x1f4: {  	_ =	swait.ge [sflag:s16], $0x8000  }
0x1f5: {  	[sflag:s16] =	ssyncset.done $0x0  }
0x1f6: {  	[sflag:s16] =	ssyncadd.s32 $0xFFFF8000  }
0x1f7: {  	_ =	swait.ge [sflag:s15], $0x8000  }
0x1f8: {  	[sflag:s15] =	ssyncset.done $0x0  }
0x1f9: {  	[sflag:s15] =	ssyncadd.s32 $0xFFFF8000  }
0x1fa: {  	_ =	swait.ge [sflag:s15], $0x8000  }
0x1fb: {  	[sflag:s15] =	ssyncset.done $0x0  }
0x1fc: {  	[sflag:s15] =	ssyncadd.s32 $0xFFFF8000  }
0x1fd: {  	_ =	swait.ge [sflag:s15], $0x8000  }
0x1fe: {  	[sflag:s15] =	ssyncset.done $0x0  }
0x1ff: {  	[sflag:s15] =	ssyncadd.s32 $0xFFFF8000  }
0x200: {  	_ =	swait.ge [sflag:s15], $0x8000  }
0x201: {  	[sflag:s15] =	ssyncset.done $0x0  }
0x202: {  	[sflag:s15] =	ssyncadd.s32 $0xFFFF8000  }
0x203: {  	[tilespmem:s22], [sflag:$0x3] =	stream.linear.gather [hbm4b:s23+s2], $0x8000, $0x38;
	[tilespmem:$0x18000] =	vst v63  }
0x204: {  	_ = 	snop  }
0x205: {  	[hbm4b:s24+s2] =	stream.linear.scatter [tilespmem:s9], [sflag:$0x5], $0x8000, $0x38;
	[tilespmem:$0x18000] =	vst v63  }
0x206: {  	_ = 	snop  }
0x207: {  	[hbm4b:s25+s2] =	stream.linear.scatter [tilespmem:s9], [sflag:$0x5], $0x8000, $0x38;
	[tilespmem:$0x18000] =	vst v63  }
0x208: {  	_ = 	snop  }
0x209: {  	[hbm4b:s28+s2] =	stream.linear.scatter [tilespmem:s9], [sflag:$0x5], $0x8000, $0x38;
	[tilespmem:$0x18000] =	vst v63  }
0x20a: {  	_ = 	snop  }
0x20b: {  	[hbm4b:s29+s2] =	stream.linear.scatter [tilespmem:s9], [sflag:$0x5], $0x8000, $0x38;
	[tilespmem:$0x18000] =	vst v63  }
0x20c: {  	_ =	swait.ge [sflag:s30], $0x8000  }
0x20d: {  	[sflag:s30] =	ssyncset.done $0x0  }
0x20e: {  	[sflag:s30] =	ssyncadd.s32 $0xFFFF8000  }
0x20f: {  	_ =	swait.ge [sflag:s4], $0x8000  }
0x210: {  	[sflag:s4] =	ssyncset.done $0x0  }
0x211: {  	[sflag:s4] =	ssyncadd.s32 $0xFFFF8000  }
0x212: {  	_ =	swait.ge [sflag:s4], $0x8000  }
0x213: {  	[sflag:s4] =	ssyncset.done $0x0  }
0x214: {  	[sflag:s4] =	ssyncadd.s32 $0xFFFF8000  }
0x215: {  	_ =	swait.ge [sflag:s4], $0x8000  }
0x216: {  	[sflag:s4] =	ssyncset.done $0x0  }
0x217: {  	[sflag:s4] =	ssyncadd.s32 $0xFFFF8000  }
0x218: {  	_ =	swait.ge [sflag:s4], $0x8000  }
0x219: {  	[sflag:s4] =	ssyncset.done $0x0  }
0x21a: {  	[sflag:s4] =	ssyncadd.s32 $0xFFFF8000  }
0x21b: {  	[tilespmem:s2], [sflag:$0x1] =	stream.linear.gather [hbm4b:s17+s2], $0x8000, $0x38;
	[tilespmem:$0x18000] =	vst v63  }
0x21c: {  	_ = 	snop  }
0x21d: {  	[hbm4b:s18+s2] =	stream.linear.scatter [tilespmem:s22], [sflag:$0x6], $0x8000, $0x38;
	[tilespmem:$0x18000] =	vst v63  }
0x21e: {  	_ = 	snop  }
0x21f: {  	[hbm4b:s19+s2] =	stream.linear.scatter [tilespmem:s22], [sflag:$0x6], $0x8000, $0x38;
	[tilespmem:$0x18000] =	vst v63  }
0x220: {  	_ = 	snop  }
0x221: {  	[hbm4b:s20+s2] =	stream.linear.scatter [tilespmem:s22], [sflag:$0x6], $0x8000, $0x38;
	[tilespmem:$0x18000] =	vst v63  }
0x222: {  	_ = 	snop  }
0x223: {  	[hbm4b:s21+s2] =	stream.linear.scatter [tilespmem:s22], [sflag:$0x6], $0x8000, $0x38;
	[tilespmem:$0x18000] =	vst v63  }
0x224: {  	_ =	swait.ge [sflag:s26], $0x8000  }
0x225: {  	[sflag:s26] =	ssyncset.done $0x0  }
0x226: {  	[sflag:s26] =	ssyncadd.s32 $0xFFFF8000  }
0x227: {  	_ =	swait.ge [sflag:s3], $0x8000  }
0x228: {  	[sflag:s3] =	ssyncset.done $0x0  }
0x229: {  	[sflag:s3] =	ssyncadd.s32 $0xFFFF8000  }
0x22a: {  	_ =	swait.ge [sflag:s3], $0x8000  }
0x22b: {  	[sflag:s3] =	ssyncset.done $0x0  }
0x22c: {  	[sflag:s3] =	ssyncadd.s32 $0xFFFF8000  }
0x22d: {  	_ =	swait.ge [sflag:s3], $0x8000  }
0x22e: {  	[sflag:s3] =	ssyncset.done $0x0  }
0x22f: {  	[sflag:s3] =	ssyncadd.s32 $0xFFFF8000  }
0x230: {  	_ =	swait.ge [sflag:s3], $0x8000  }
0x231: {  	[sflag:s3] =	ssyncset.done $0x0  }
0x232: {  	[sflag:s3] =	ssyncadd.s32 $0xFFFF8000  }
0x233: {  	[tilespmem:s9], [sflag:$0x2] =	stream.linear.gather [hbm4b:s10+s2], $0x8000, $0x38;
	[tilespmem:$0x18000] =	vst v63  }
0x234: {  	_ = 	snop  }
0x235: {  	[hbm4b:s11+s2] =	stream.linear.scatter [tilespmem:s2], [sflag:$0x4], $0x8000, $0x38;
	[tilespmem:$0x18000] =	vst v63  }
0x236: {  	_ = 	snop  }
0x237: {  	[hbm4b:s12+s2] =	stream.linear.scatter [tilespmem:s2], [sflag:$0x4], $0x8000, $0x38;
	[tilespmem:$0x18000] =	vst v63  }
0x238: {  	_ = 	snop  }
0x239: {  	[hbm4b:s13+s2] =	stream.linear.scatter [tilespmem:s2], [sflag:$0x4], $0x8000, $0x38;
	[tilespmem:$0x18000] =	vst v63  }
0x23a: {  	_ = 	snop  }
0x23b: {  	[hbm4b:s14+s2] =	stream.linear.scatter [tilespmem:s2], [sflag:$0x4], $0x8000, $0x38;
	[tilespmem:$0x18000] =	vst v63  }
0x23c: {  	_ =	swait.ge [sflag:s16], $0x8000  }
0x23d: {  	[sflag:s16] =	ssyncset.done $0x0  }
0x23e: {  	[sflag:s16] =	ssyncadd.s32 $0xFFFF8000  }
0x23f: {  	_ =	swait.ge [sflag:s15], $0x8000  }
0x240: {  	[sflag:s15] =	ssyncset.done $0x0  }
0x241: {  	[sflag:s15] =	ssyncadd.s32 $0xFFFF8000  }
0x242: {  	_ =	swait.ge [sflag:s15], $0x8000  }
0x243: {  	[sflag:s15] =	ssyncset.done $0x0  }
0x244: {  	[sflag:s15] =	ssyncadd.s32 $0xFFFF8000  }
0x245: {  	_ =	swait.ge [sflag:s15], $0x8000  }
0x246: {  	[sflag:s15] =	ssyncset.done $0x0  }
0x247: {  	[sflag:s15] =	ssyncadd.s32 $0xFFFF8000  }
0x248: {  	_ =	swait.ge [sflag:s15], $0x8000  }
0x249: {  	[sflag:s15] =	ssyncset.done $0x0  }
0x24a: {  	[sflag:s15] =	ssyncadd.s32 $0xFFFF8000  }
0x24b: {  	[hbm4b:s5+s2] =	stream.linear.scatter [tilespmem:s9], [sflag:$0x5], $0x8000, $0x38;
	[tilespmem:$0x18000] =	vst v63  }
0x24c: {  	_ = 	snop  }
0x24d: {  	[hbm4b:s6+s2] =	stream.linear.scatter [tilespmem:s9], [sflag:$0x5], $0x8000, $0x38;
	[tilespmem:$0x18000] =	vst v63  }
0x24e: {  	_ = 	snop  }
0x24f: {  	[hbm4b:s7+s2] =	stream.linear.scatter [tilespmem:s9], [sflag:$0x5], $0x8000, $0x38;
	[tilespmem:$0x18000] =	vst v63  }
0x250: {  	_ = 	snop  }
0x251: {  	[hbm4b:s8+s2] =	stream.linear.scatter [tilespmem:s9], [sflag:$0x5], $0x8000, $0x38;
	[tilespmem:$0x18000] =	vst v63  }
0x252: {  	_ =	swait.ge [sflag:s4], $0x8000  }
0x253: {  	[sflag:s4] =	ssyncset.done $0x0  }
0x254: {  	[sflag:s4] =	ssyncadd.s32 $0xFFFF8000  }
0x255: {  	_ =	swait.ge [sflag:s4], $0x8000  }
0x256: {  	[sflag:s4] =	ssyncset.done $0x0  }
0x257: {  	[sflag:s4] =	ssyncadd.s32 $0xFFFF8000  }
0x258: {  	_ =	swait.ge [sflag:s4], $0x8000  }
0x259: {  	[sflag:s4] =	ssyncset.done $0x0  }
0x25a: {  	[sflag:s4] =	ssyncadd.s32 $0xFFFF8000  }
0x25b: {  	_ =	swait.ge [sflag:s4], $0x8000  }
0x25c: {  	[sflag:s4] =	ssyncset.done $0x0  }
0x25d: {  	[sflag:s4] =	ssyncadd.s32 $0xFFFF8000  }
0x25e: {  	_ =	swait.ge [sflag:s3], $0x8000  }
0x25f: {  	[sflag:s3] =	ssyncset.done $0x0  }
0x260: {  	[sflag:s3] =	ssyncadd.s32 $0xFFFF8000  }
0x261: {  	_ =	swait.ge [sflag:s3], $0x8000  }
0x262: {  	[sflag:s3] =	ssyncset.done $0x0  }
0x263: {  	[sflag:s3] =	ssyncadd.s32 $0xFFFF8000  }
0x264: {  	_ =	swait.ge [sflag:s3], $0x8000  }
0x265: {  	[sflag:s3] =	ssyncset.done $0x0  }
0x266: {  	[sflag:s3] =	ssyncadd.s32 $0xFFFF8000  }
0x267: {  	_ =	swait.ge [sflag:s3], $0x8000  }
0x268: {  	[sflag:s3] =	ssyncset.done $0x0  }
0x269: {  	[sflag:s3] =	ssyncadd.s32 $0xFFFF8000  }
0x26a: {  	_ =	sfence.sel $0x180000  }
0x26b: {  	[bflag:$0x0] =	sbarrier.arrive $0xFFFF  }
0x26c: {  	_ =	strace $0x90000047  }
0x26d: {  	s31 =	stileid.u32;
	[bflag:$0x2] =	sbarrier.arrive $0xFFFF  }
0x26e: {  	p0 =	sne.s32 s31, $0x0;
	s0 =	rddreg [dreg:$0x2]  }
0x26f: {  	s0 =	sadd.s32 @!p0 $0x100000, s0  }
0x270: {  	[sflag:s0] =	ssyncadd.tile.s32 @!p0 $0x1;
	_ =	shalt  }
.LBB2_2:
.Ltmp3:
0x271: {  	(pc) =	sbr.rel .LBB2_5-.Ltmp3, $2  }
0x272: {  	_ =	sdelay $0x2  }
0x273: {  	s31 =	rddreg [dreg:$0x17]  }
.Lfunc_end2:
_tile_overlayer_lowered:
.L_overlay_start_2:
0x274: {  	(tag) =	ssettag $0x2  }
0x275: {  	s0 =	rddreg [dreg:$0x0];
	s2 =	stileid.u32  }
0x276: {  	s1 =	rddreg [dreg:$0x1];
	p0 =	sne.s32 s2, $0x0  }
0x277: {  	s3 =	rddreg [dreg:$0x2];
	[bflag:$0x3] =	sbarrier.arrive $0xFFFF;
	s2 =	simm.s32 @!p0 $0x1C07  }
0x278: {  	[timem:s3], [sflag:s2] =	dma.local @!p0 [hbm:s0], s1  }
0x279: {  	s0 =	simm.s32 @!p0 $0x7  }
0x27a: {  	_ =	swait.ge @!p0 [sflag:s0], s1  }
0x27b: {  	s1 =	ssub.s32 @!p0 $0x0, s1;
	[sflag:s0] =	ssyncset.done @!p0 $0x0  }
0x27c: {  	[sflag:s0] =	ssyncadd.s32 @!p0 s1  }
0x27d: {  	[bflag:$0x3] =	sbarrier.arrive $0xFFFF  }
0x27e: {  	_ =	shalt  }

</sc_bundles>
